<compile_context>
chip_gen: v7x
topology: tpu7x:2x2x1
jax: 0.10.2.dev20260603
libtpu: 0.0.44.dev20260713+nightly
codegen_flags: <defaults>
</compile_context>

<pallas_src>
import functools

import jax
import jax.numpy as jnp
from jax import lax
from jax.experimental import pallas as pl
from jax.experimental.pallas import tpu as pltpu
from jax.experimental.pallas import tpu_sc as plsc

VOCAB = 1000000
EMBED = 64
HIDDEN = 128
L = 16384

NC = 2
NS = 16
PER_T = L // NS
CHUNK = 128
NCHUNK = PER_T // CHUNK

B = 50176
G = 20
P = G * B
SLICE = P // NS


@functools.partial(
    pl.kernel,
    mesh=plsc.VectorSubcoreMesh(core_axis_name="c", subcore_axis_name="s"),
    out_type=jax.ShapeDtypeStruct((1, P), jnp.float32),
    scratch_types=[
        pltpu.VMEM((NCHUNK, CHUNK), jnp.int32),
        pltpu.VMEM((NCHUNK, CHUNK), jnp.float32),
        pltpu.VMEM_SHARED((P,), jnp.float32),
    ],
)
def _sc_counts(x_hbm, zeros_hbm, out_hbm, idx_v, ones_v, c_sh):
    cid = lax.axis_index("c")
    sid = lax.axis_index("s")

    @pl.when(cid == 0)
    def _():
        pltpu.sync_copy(x_hbm.at[sid], idx_v)
        for j in range(NCHUNK):
            for k in range(CHUNK // 16):
                ones_v[j, pl.ds(k * 16, 16)] = jnp.ones((16,), jnp.float32)
        pltpu.sync_copy(zeros_hbm.at[pl.ds(sid * SLICE, SLICE)],
                        c_sh.at[pl.ds(sid * SLICE, SLICE)])

    plsc.subcore_barrier()

    @pl.when(cid == 0)
    def _():
        for j in range(NCHUNK):
            pltpu.sync_copy(ones_v.at[j], c_sh.at[idx_v.at[j]], add=True)

    plsc.subcore_barrier()

    @pl.when(cid == 0)
    def _():
        pltpu.sync_copy(c_sh.at[pl.ds(sid * SLICE, SLICE)],
                        out_hbm.at[0, pl.ds(sid * SLICE, SLICE)])


def _matvec_body(tab_ref, cnt_ref, w1_ref, b1_ref, w2_ref, b2_ref, o_ref,
                 acc_ref):
    i = pl.program_id(0)

    @pl.when(i == 0)
    def _():
        acc_ref[...] = jnp.zeros_like(acc_ref)

    c = cnt_ref[...]

    @pl.when(i < G - 1)
    def _():
        acc_ref[...] += lax.dot_general(c, tab_ref[...],
                                        (((1,), (1,)), ((), ())),
                                        preferred_element_type=jnp.float32)

    @pl.when(i == G - 1)
    def _():
        lane = lax.broadcasted_iota(jnp.int32, (1, B), 1) + i * B
        tb = jnp.where(lane < VOCAB, tab_ref[...], 0.0)
        acc = acc_ref[...] + lax.dot_general(c, tb, (((1,), (1,)), ((), ())),
                                             preferred_element_type=jnp.float32)
        e = acc * (1.0 / L)
        h = lax.dot_general(e, w1_ref[...], (((1,), (1,)), ((), ())),
                            preferred_element_type=jnp.float32)
        h = jnp.maximum(h + b1_ref[...], 0.0)
        o_ref[...] = jnp.sum(h * w2_ref[...], axis=1, keepdims=True) \
            + b2_ref[...]


def kernel(x, table, W1, b1, W2, b2):
    xi = x.astype(jnp.int32).reshape(NS, NCHUNK, CHUNK)
    zeros = jnp.zeros((P,), jnp.float32)
    counts = _sc_counts(xi, zeros)
    tableT = jnp.transpose(table)
    out = pl.pallas_call(
        _matvec_body,
        grid=(G,),
        in_specs=[
            pl.BlockSpec((EMBED, B), lambda i: (0, i)),
            pl.BlockSpec((1, B), lambda i: (0, i)),
            pl.BlockSpec((HIDDEN, EMBED), lambda i: (0, 0)),
            pl.BlockSpec((1, HIDDEN), lambda i: (0, 0)),
            pl.BlockSpec((1, HIDDEN), lambda i: (0, 0)),
            pl.BlockSpec((1, 1), lambda i: (0, 0)),
        ],
        out_specs=pl.BlockSpec((1, 1), lambda i: (0, 0)),
        out_shape=jax.ShapeDtypeStruct((1, 1), jnp.float32),
        scratch_shapes=[pltpu.VMEM((1, EMBED), jnp.float32)],
    )(tableT, counts, W1, b1.reshape(1, HIDDEN), W2, b2.reshape(1, 1))
    return out.reshape(1)

# --- scband reference (transcript-rebuilt; emitter-appended) ---
"""Pipeline reference for scband-simple-model-46858093199964 (READ-ONLY COPY).

The authoritative reference and input builder live on the scoring server;
editing this copy changes nothing except your own understanding.
"""

import jax, jax.numpy as jnp
import numpy as np

VOCAB = 1000000
EMBED = 64
HIDDEN = 128
L = 16384

def setup_inputs(seed: int = 0) -> dict:
    key = jax.random.key(seed)
    k_x, k_tab, k_w1, k_b1, k_w2, k_b2 = jax.random.split(key, 6)
    x = jax.random.randint(k_x, (L,), 0, VOCAB, dtype=jnp.int64) if jax.config.jax_enable_x64 else jax.random.randint(k_x, (L,), 0, VOCAB, dtype=jnp.int32)
    table = jax.random.normal(k_tab, (VOCAB, EMBED), dtype=jnp.float32) * 0.02
    W1 = jax.random.normal(k_w1, (HIDDEN, EMBED), dtype=jnp.float32) * (1.0 / np.sqrt(EMBED))
    b1 = jax.random.normal(k_b1, (HIDDEN,), dtype=jnp.float32) * 0.01
    W2 = jax.random.normal(k_w2, (1, HIDDEN), dtype=jnp.float32) * (1.0 / np.sqrt(HIDDEN))
    b2 = jax.random.normal(k_b2, (1,), dtype=jnp.float32) * 0.01
    return {"x": x, "table": table, "W1": W1, "b1": b1, "W2": W2, "b2": b2}

def reference(x, table, W1, b1, W2, b2):
    # nn.EmbeddingBag default mode='mean' over the single bag x.unsqueeze(0)
    embeds = jnp.take(table, x, axis=0).mean(axis=0)  # [EMBED]
    hidden = jax.nn.relu(embeds @ W1.T + b1)          # [HIDDEN]
    out = hidden @ W2.T + b2                          # [1]
    return out

if __name__ == "__main__":
    import jax
    _d = setup_inputs()
    print(jax.jit(kernel)(*tuple(_d.values())))

</pallas_src>

<mosaic_0001>
#map = affine_map<(d0, d1) -> (0, 0, 0)>
#map1 = affine_map<(d0, d1) -> (0)>
#map2 = affine_map<(d0, d1) -> (0, 0)>
module attributes {stable_mosaic.version = 14 : i64} {
  func.func @_sc_counts(%arg0: i32, %arg1: i32, %arg2: memref<16x8x128xi32, #tpu.memory_space<hbm>>, %arg3: memref<1003520xf32, #tpu.memory_space<hbm>>, %arg4: memref<1x1003520xf32, #tpu.memory_space<hbm>>, %arg5: memref<8x128xi32, #tpu.memory_space<vmem>>, %arg6: memref<8x128xf32, #tpu.memory_space<vmem>>, %arg7: memref<1003520xf32, #tpu.memory_space<vmem_shared>>) attributes {dimension_semantics = [#tpu.dimension_semantics<core_parallel>, #tpu.dimension_semantics<subcore_parallel>], iteration_bounds = array<i64: 2, 16>, scalar_prefetch = 0 : i64, scratch_operands = 3 : i64, tpu.core_type = #tpu.core_type<sc_vector_subcore>, window_params = [{transform_indices = #map}, {transform_indices = #map1}, {transform_indices = #map2}]} {
    %eq3A = arith.constant 0 : i32
    %eq3A_0 = arith.cmpi eq, %arg0, %eq3A : i32
    %convert_element_type3A = arith.extui %eq3A_0 : i1 to i32
    %cond3A = arith.constant 0 : i32
    %cond3A_1 = arith.cmpi ne, %convert_element_type3A, %cond3A : i32
    scf.if %cond3A_1 {
      "tpu.region"() ({
        %run_scoped3A = tpu.sem_alloc : memref<!tpu.dma_semaphore, #tpu.memory_space<semaphore_mem>>
        %dma_start3A = arith.constant 0 : i32
        %dma_start3A_526 = arith.constant 0 : i32
        %dma_start3A_527 = tpu.memref_slice %arg2[%arg1, %dma_start3A, %dma_start3A_526] : memref<16x8x128xi32, #tpu.memory_space<hbm>> -> memref<1x8x128xi32, #tpu.memory_space<hbm>>
        %dma_start3A_528 = tpu.memref_squeeze %dma_start3A_527 : memref<1x8x128xi32, #tpu.memory_space<hbm>> -> memref<8x128xi32, #tpu.memory_space<hbm>>
        %dma_start3A_529 = arith.constant 0 : i32
        %dma_start3A_530 = arith.constant 0 : i32
        %dma_start3A_531 = tpu.memref_slice %arg2[%arg1, %dma_start3A_529, %dma_start3A_530] : memref<16x8x128xi32, #tpu.memory_space<hbm>> -> memref<1x8x128xi32, #tpu.memory_space<hbm>>
        %dma_start3A_532 = tpu.memref_squeeze %dma_start3A_531 : memref<1x8x128xi32, #tpu.memory_space<hbm>> -> memref<8x128xi32, #tpu.memory_space<hbm>>
        tpu.enqueue_dma source(%dma_start3A_532 : memref<8x128xi32, #tpu.memory_space<hbm>>) target(%arg5 : memref<8x128xi32, #tpu.memory_space<vmem>>) target_semaphore(%run_scoped3A : memref<!tpu.dma_semaphore, #tpu.memory_space<semaphore_mem>>)
        %dma_wait3A = arith.constant 0 : i32
        %dma_wait3A_533 = arith.constant 0 : i32
        %dma_wait3A_534 = tpu.memref_slice %arg2[%arg1, %dma_wait3A, %dma_wait3A_533] : memref<16x8x128xi32, #tpu.memory_space<hbm>> -> memref<1x8x128xi32, #tpu.memory_space<hbm>>
        %dma_wait3A_535 = tpu.memref_squeeze %dma_wait3A_534 : memref<1x8x128xi32, #tpu.memory_space<hbm>> -> memref<8x128xi32, #tpu.memory_space<hbm>>
        %dma_wait3A_536 = arith.constant 0 : i32
        %dma_wait3A_537 = arith.constant 0 : i32
        %dma_wait3A_538 = tpu.memref_slice %arg2[%arg1, %dma_wait3A_536, %dma_wait3A_537] : memref<16x8x128xi32, #tpu.memory_space<hbm>> -> memref<1x8x128xi32, #tpu.memory_space<hbm>>
        %dma_wait3A_539 = tpu.memref_squeeze %dma_wait3A_538 : memref<1x8x128xi32, #tpu.memory_space<hbm>> -> memref<8x128xi32, #tpu.memory_space<hbm>>
        tpu.wait_dma2 semaphore(%run_scoped3A : memref<!tpu.dma_semaphore, #tpu.memory_space<semaphore_mem>>) src(%dma_wait3A_539 : memref<8x128xi32, #tpu.memory_space<hbm>>) dst(%arg5 : memref<8x128xi32, #tpu.memory_space<vmem>>)
        tpu.yield
      }) : () -> ()
      %broadcast_in_dim3A = arith.constant 1.000000e+00 : f32
      %broadcast_in_dim3A_13 = vector.broadcast %broadcast_in_dim3A : f32 to vector<16xf32>
      %swap3A = arith.constant 0 : i32
      %swap3A_14 = arith.index_cast %swap3A : i32 to index
      %swap3A_15 = arith.constant 0 : index
      %swap3A_16 = tpu.vector_load %arg6[%swap3A_14, %swap3A_15] {strides = array<i32>} : memref<8x128xf32, #tpu.memory_space<vmem>>, vector<1x16xf32>,
      %swap3A_17 = vector.shape_cast %swap3A_16 : vector<1x16xf32> to vector<16xf32>
      %swap3A_18 = vector.shape_cast %broadcast_in_dim3A_13 : vector<16xf32> to vector<1x16xf32>
      tpu.vector_store %arg6[%swap3A_14, %swap3A_15], %swap3A_18 {strides = array<i32>} : memref<8x128xf32, #tpu.memory_space<vmem>>, vector<1x16xf32>,
      %broadcast_in_dim3A_19 = arith.constant 1.000000e+00 : f32
      %broadcast_in_dim3A_20 = vector.broadcast %broadcast_in_dim3A_19 : f32 to vector<16xf32>
      %swap3A_21 = arith.constant 0 : i32
      %swap3A_22 = arith.index_cast %swap3A_21 : i32 to index
      %swap3A_23 = arith.constant 16 : index
      %swap3A_24 = tpu.vector_load %arg6[%swap3A_22, %swap3A_23] {strides = array<i32>} : memref<8x128xf32, #tpu.memory_space<vmem>>, vector<1x16xf32>,
      %swap3A_25 = vector.shape_cast %swap3A_24 : vector<1x16xf32> to vector<16xf32>
      %swap3A_26 = vector.shape_cast %broadcast_in_dim3A_20 : vector<16xf32> to vector<1x16xf32>
      tpu.vector_store %arg6[%swap3A_22, %swap3A_23], %swap3A_26 {strides = array<i32>} : memref<8x128xf32, #tpu.memory_space<vmem>>, vector<1x16xf32>,
      %broadcast_in_dim3A_27 = arith.constant 1.000000e+00 : f32
      %broadcast_in_dim3A_28 = vector.broadcast %broadcast_in_dim3A_27 : f32 to vector<16xf32>
      %swap3A_29 = arith.constant 0 : i32
      %swap3A_30 = arith.index_cast %swap3A_29 : i32 to index
      %swap3A_31 = arith.constant 32 : index
      %swap3A_32 = tpu.vector_load %arg6[%swap3A_30, %swap3A_31] {strides = array<i32>} : memref<8x128xf32, #tpu.memory_space<vmem>>, vector<1x16xf32>,
      %swap3A_33 = vector.shape_cast %swap3A_32 : vector<1x16xf32> to vector<16xf32>
      %swap3A_34 = vector.shape_cast %broadcast_in_dim3A_28 : vector<16xf32> to vector<1x16xf32>
      tpu.vector_store %arg6[%swap3A_30, %swap3A_31], %swap3A_34 {strides = array<i32>} : memref<8x128xf32, #tpu.memory_space<vmem>>, vector<1x16xf32>,
      %broadcast_in_dim3A_35 = arith.constant 1.000000e+00 : f32
      %broadcast_in_dim3A_36 = vector.broadcast %broadcast_in_dim3A_35 : f32 to vector<16xf32>
      %swap3A_37 = arith.constant 0 : i32
      %swap3A_38 = arith.index_cast %swap3A_37 : i32 to index
      %swap3A_39 = arith.constant 48 : index
      %swap3A_40 = tpu.vector_load %arg6[%swap3A_38, %swap3A_39] {strides = array<i32>} : memref<8x128xf32, #tpu.memory_space<vmem>>, vector<1x16xf32>,
      %swap3A_41 = vector.shape_cast %swap3A_40 : vector<1x16xf32> to vector<16xf32>
      %swap3A_42 = vector.shape_cast %broadcast_in_dim3A_36 : vector<16xf32> to vector<1x16xf32>
      tpu.vector_store %arg6[%swap3A_38, %swap3A_39], %swap3A_42 {strides = array<i32>} : memref<8x128xf32, #tpu.memory_space<vmem>>, vector<1x16xf32>,
      %broadcast_in_dim3A_43 = arith.constant 1.000000e+00 : f32
      %broadcast_in_dim3A_44 = vector.broadcast %broadcast_in_dim3A_43 : f32 to vector<16xf32>
      %swap3A_45 = arith.constant 0 : i32
      %swap3A_46 = arith.index_cast %swap3A_45 : i32 to index
      %swap3A_47 = arith.constant 64 : index
      %swap3A_48 = tpu.vector_load %arg6[%swap3A_46, %swap3A_47] {strides = array<i32>} : memref<8x128xf32, #tpu.memory_space<vmem>>, vector<1x16xf32>,
      %swap3A_49 = vector.shape_cast %swap3A_48 : vector<1x16xf32> to vector<16xf32>
      %swap3A_50 = vector.shape_cast %broadcast_in_dim3A_44 : vector<16xf32> to vector<1x16xf32>
      tpu.vector_store %arg6[%swap3A_46, %swap3A_47], %swap3A_50 {strides = array<i32>} : memref<8x128xf32, #tpu.memory_space<vmem>>, vector<1x16xf32>,
      %broadcast_in_dim3A_51 = arith.constant 1.000000e+00 : f32
      %broadcast_in_dim3A_52 = vector.broadcast %broadcast_in_dim3A_51 : f32 to vector<16xf32>
      %swap3A_53 = arith.constant 0 : i32
      %swap3A_54 = arith.index_cast %swap3A_53 : i32 to index
      %swap3A_55 = arith.constant 80 : index
      %swap3A_56 = tpu.vector_load %arg6[%swap3A_54, %swap3A_55] {strides = array<i32>} : memref<8x128xf32, #tpu.memory_space<vmem>>, vector<1x16xf32>,
      %swap3A_57 = vector.shape_cast %swap3A_56 : vector<1x16xf32> to vector<16xf32>
      %swap3A_58 = vector.shape_cast %broadcast_in_dim3A_52 : vector<16xf32> to vector<1x16xf32>
      tpu.vector_store %arg6[%swap3A_54, %swap3A_55], %swap3A_58 {strides = array<i32>} : memref<8x128xf32, #tpu.memory_space<vmem>>, vector<1x16xf32>,
      %broadcast_in_dim3A_59 = arith.constant 1.000000e+00 : f32
      %broadcast_in_dim3A_60 = vector.broadcast %broadcast_in_dim3A_59 : f32 to vector<16xf32>
      %swap3A_61 = arith.constant 0 : i32
      %swap3A_62 = arith.index_cast %swap3A_61 : i32 to index
      %swap3A_63 = arith.constant 96 : index
      %swap3A_64 = tpu.vector_load %arg6[%swap3A_62, %swap3A_63] {strides = array<i32>} : memref<8x128xf32, #tpu.memory_space<vmem>>, vector<1x16xf32>,
      %swap3A_65 = vector.shape_cast %swap3A_64 : vector<1x16xf32> to vector<16xf32>
      %swap3A_66 = vector.shape_cast %broadcast_in_dim3A_60 : vector<16xf32> to vector<1x16xf32>
      tpu.vector_store %arg6[%swap3A_62, %swap3A_63], %swap3A_66 {strides = array<i32>} : memref<8x128xf32, #tpu.memory_space<vmem>>, vector<1x16xf32>,
      %broadcast_in_dim3A_67 = arith.constant 1.000000e+00 : f32
      %broadcast_in_dim3A_68 = vector.broadcast %broadcast_in_dim3A_67 : f32 to vector<16xf32>
      %swap3A_69 = arith.constant 0 : i32
      %swap3A_70 = arith.index_cast %swap3A_69 : i32 to index
      %swap3A_71 = arith.constant 112 : index
      %swap3A_72 = tpu.vector_load %arg6[%swap3A_70, %swap3A_71] {strides = array<i32>} : memref<8x128xf32, #tpu.memory_space<vmem>>, vector<1x16xf32>,
      %swap3A_73 = vector.shape_cast %swap3A_72 : vector<1x16xf32> to vector<16xf32>
      %swap3A_74 = vector.shape_cast %broadcast_in_dim3A_68 : vector<16xf32> to vector<1x16xf32>
      tpu.vector_store %arg6[%swap3A_70, %swap3A_71], %swap3A_74 {strides = array<i32>} : memref<8x128xf32, #tpu.memory_space<vmem>>, vector<1x16xf32>,
      %broadcast_in_dim3A_75 = arith.constant 1.000000e+00 : f32
      %broadcast_in_dim3A_76 = vector.broadcast %broadcast_in_dim3A_75 : f32 to vector<16xf32>
      %swap3A_77 = arith.constant 1 : i32
      %swap3A_78 = arith.index_cast %swap3A_77 : i32 to index
      %swap3A_79 = arith.constant 0 : index
      %swap3A_80 = tpu.vector_load %arg6[%swap3A_78, %swap3A_79] {strides = array<i32>} : memref<8x128xf32, #tpu.memory_space<vmem>>, vector<1x16xf32>,
      %swap3A_81 = vector.shape_cast %swap3A_80 : vector<1x16xf32> to vector<16xf32>
      %swap3A_82 = vector.shape_cast %broadcast_in_dim3A_76 : vector<16xf32> to vector<1x16xf32>
      tpu.vector_store %arg6[%swap3A_78, %swap3A_79], %swap3A_82 {strides = array<i32>} : memref<8x128xf32, #tpu.memory_space<vmem>>, vector<1x16xf32>,
      %broadcast_in_dim3A_83 = arith.constant 1.000000e+00 : f32
      %broadcast_in_dim3A_84 = vector.broadcast %broadcast_in_dim3A_83 : f32 to vector<16xf32>
      %swap3A_85 = arith.constant 1 : i32
      %swap3A_86 = arith.index_cast %swap3A_85 : i32 to index
      %swap3A_87 = arith.constant 16 : index
      %swap3A_88 = tpu.vector_load %arg6[%swap3A_86, %swap3A_87] {strides = array<i32>} : memref<8x128xf32, #tpu.memory_space<vmem>>, vector<1x16xf32>,
      %swap3A_89 = vector.shape_cast %swap3A_88 : vector<1x16xf32> to vector<16xf32>
      %swap3A_90 = vector.shape_cast %broadcast_in_dim3A_84 : vector<16xf32> to vector<1x16xf32>
      tpu.vector_store %arg6[%swap3A_86, %swap3A_87], %swap3A_90 {strides = array<i32>} : memref<8x128xf32, #tpu.memory_space<vmem>>, vector<1x16xf32>,
      %broadcast_in_dim3A_91 = arith.constant 1.000000e+00 : f32
      %broadcast_in_dim3A_92 = vector.broadcast %broadcast_in_dim3A_91 : f32 to vector<16xf32>
      %swap3A_93 = arith.constant 1 : i32
      %swap3A_94 = arith.index_cast %swap3A_93 : i32 to index
      %swap3A_95 = arith.constant 32 : index
      %swap3A_96 = tpu.vector_load %arg6[%swap3A_94, %swap3A_95] {strides = array<i32>} : memref<8x128xf32, #tpu.memory_space<vmem>>, vector<1x16xf32>,
      %swap3A_97 = vector.shape_cast %swap3A_96 : vector<1x16xf32> to vector<16xf32>
      %swap3A_98 = vector.shape_cast %broadcast_in_dim3A_92 : vector<16xf32> to vector<1x16xf32>
      tpu.vector_store %arg6[%swap3A_94, %swap3A_95], %swap3A_98 {strides = array<i32>} : memref<8x128xf32, #tpu.memory_space<vmem>>, vector<1x16xf32>,
      %broadcast_in_dim3A_99 = arith.constant 1.000000e+00 : f32
      %broadcast_in_dim3A_100 = vector.broadcast %broadcast_in_dim3A_99 : f32 to vector<16xf32>
      %swap3A_101 = arith.constant 1 : i32
      %swap3A_102 = arith.index_cast %swap3A_101 : i32 to index
      %swap3A_103 = arith.constant 48 : index
      %swap3A_104 = tpu.vector_load %arg6[%swap3A_102, %swap3A_103] {strides = array<i32>} : memref<8x128xf32, #tpu.memory_space<vmem>>, vector<1x16xf32>,
      %swap3A_105 = vector.shape_cast %swap3A_104 : vector<1x16xf32> to vector<16xf32>
      %swap3A_106 = vector.shape_cast %broadcast_in_dim3A_100 : vector<16xf32> to vector<1x16xf32>
      tpu.vector_store %arg6[%swap3A_102, %swap3A_103], %swap3A_106 {strides = array<i32>} : memref<8x128xf32, #tpu.memory_space<vmem>>, vector<1x16xf32>,
      %broadcast_in_dim3A_107 = arith.constant 1.000000e+00 : f32
      %broadcast_in_dim3A_108 = vector.broadcast %broadcast_in_dim3A_107 : f32 to vector<16xf32>
      %swap3A_109 = arith.constant 1 : i32
      %swap3A_110 = arith.index_cast %swap3A_109 : i32 to index
      %swap3A_111 = arith.constant 64 : index
      %swap3A_112 = tpu.vector_load %arg6[%swap3A_110, %swap3A_111] {strides = array<i32>} : memref<8x128xf32, #tpu.memory_space<vmem>>, vector<1x16xf32>,
      %swap3A_113 = vector.shape_cast %swap3A_112 : vector<1x16xf32> to vector<16xf32>
      %swap3A_114 = vector.shape_cast %broadcast_in_dim3A_108 : vector<16xf32> to vector<1x16xf32>
      tpu.vector_store %arg6[%swap3A_110, %swap3A_111], %swap3A_114 {strides = array<i32>} : memref<8x128xf32, #tpu.memory_space<vmem>>, vector<1x16xf32>,
      %broadcast_in_dim3A_115 = arith.constant 1.000000e+00 : f32
      %broadcast_in_dim3A_116 = vector.broadcast %broadcast_in_dim3A_115 : f32 to vector<16xf32>
      %swap3A_117 = arith.constant 1 : i32
      %swap3A_118 = arith.index_cast %swap3A_117 : i32 to index
      %swap3A_119 = arith.constant 80 : index
      %swap3A_120 = tpu.vector_load %arg6[%swap3A_118, %swap3A_119] {strides = array<i32>} : memref<8x128xf32, #tpu.memory_space<vmem>>, vector<1x16xf32>,
      %swap3A_121 = vector.shape_cast %swap3A_120 : vector<1x16xf32> to vector<16xf32>
      %swap3A_122 = vector.shape_cast %broadcast_in_dim3A_116 : vector<16xf32> to vector<1x16xf32>
      tpu.vector_store %arg6[%swap3A_118, %swap3A_119], %swap3A_122 {strides = array<i32>} : memref<8x128xf32, #tpu.memory_space<vmem>>, vector<1x16xf32>,
      %broadcast_in_dim3A_123 = arith.constant 1.000000e+00 : f32
      %broadcast_in_dim3A_124 = vector.broadcast %broadcast_in_dim3A_123 : f32 to vector<16xf32>
      %swap3A_125 = arith.constant 1 : i32
      %swap3A_126 = arith.index_cast %swap3A_125 : i32 to index
      %swap3A_127 = arith.constant 96 : index
      %swap3A_128 = tpu.vector_load %arg6[%swap3A_126, %swap3A_127] {strides = array<i32>} : memref<8x128xf32, #tpu.memory_space<vmem>>, vector<1x16xf32>,
      %swap3A_129 = vector.shape_cast %swap3A_128 : vector<1x16xf32> to vector<16xf32>
      %swap3A_130 = vector.shape_cast %broadcast_in_dim3A_124 : vector<16xf32> to vector<1x16xf32>
      tpu.vector_store %arg6[%swap3A_126, %swap3A_127], %swap3A_130 {strides = array<i32>} : memref<8x128xf32, #tpu.memory_space<vmem>>, vector<1x16xf32>,
      %broadcast_in_dim3A_131 = arith.constant 1.000000e+00 : f32
      %broadcast_in_dim3A_132 = vector.broadcast %broadcast_in_dim3A_131 : f32 to vector<16xf32>
      %swap3A_133 = arith.constant 1 : i32
      %swap3A_134 = arith.index_cast %swap3A_133 : i32 to index
      %swap3A_135 = arith.constant 112 : index
      %swap3A_136 = tpu.vector_load %arg6[%swap3A_134, %swap3A_135] {strides = array<i32>} : memref<8x128xf32, #tpu.memory_space<vmem>>, vector<1x16xf32>,
      %swap3A_137 = vector.shape_cast %swap3A_136 : vector<1x16xf32> to vector<16xf32>
      %swap3A_138 = vector.shape_cast %broadcast_in_dim3A_132 : vector<16xf32> to vector<1x16xf32>
      tpu.vector_store %arg6[%swap3A_134, %swap3A_135], %swap3A_138 {strides = array<i32>} : memref<8x128xf32, #tpu.memory_space<vmem>>, vector<1x16xf32>,
      %broadcast_in_dim3A_139 = arith.constant 1.000000e+00 : f32
      %broadcast_in_dim3A_140 = vector.broadcast %broadcast_in_dim3A_139 : f32 to vector<16xf32>
      %swap3A_141 = arith.constant 2 : i32
      %swap3A_142 = arith.index_cast %swap3A_141 : i32 to index
      %swap3A_143 = arith.constant 0 : index
      %swap3A_144 = tpu.vector_load %arg6[%swap3A_142, %swap3A_143] {strides = array<i32>} : memref<8x128xf32, #tpu.memory_space<vmem>>, vector<1x16xf32>,
      %swap3A_145 = vector.shape_cast %swap3A_144 : vector<1x16xf32> to vector<16xf32>
      %swap3A_146 = vector.shape_cast %broadcast_in_dim3A_140 : vector<16xf32> to vector<1x16xf32>
      tpu.vector_store %arg6[%swap3A_142, %swap3A_143], %swap3A_146 {strides = array<i32>} : memref<8x128xf32, #tpu.memory_space<vmem>>, vector<1x16xf32>,
      %broadcast_in_dim3A_147 = arith.constant 1.000000e+00 : f32
      %broadcast_in_dim3A_148 = vector.broadcast %broadcast_in_dim3A_147 : f32 to vector<16xf32>
      %swap3A_149 = arith.constant 2 : i32
      %swap3A_150 = arith.index_cast %swap3A_149 : i32 to index
      %swap3A_151 = arith.constant 16 : index
      %swap3A_152 = tpu.vector_load %arg6[%swap3A_150, %swap3A_151] {strides = array<i32>} : memref<8x128xf32, #tpu.memory_space<vmem>>, vector<1x16xf32>,
      %swap3A_153 = vector.shape_cast %swap3A_152 : vector<1x16xf32> to vector<16xf32>
      %swap3A_154 = vector.shape_cast %broadcast_in_dim3A_148 : vector<16xf32> to vector<1x16xf32>
      tpu.vector_store %arg6[%swap3A_150, %swap3A_151], %swap3A_154 {strides = array<i32>} : memref<8x128xf32, #tpu.memory_space<vmem>>, vector<1x16xf32>,
      %broadcast_in_dim3A_155 = arith.constant 1.000000e+00 : f32
      %broadcast_in_dim3A_156 = vector.broadcast %broadcast_in_dim3A_155 : f32 to vector<16xf32>
      %swap3A_157 = arith.constant 2 : i32
      %swap3A_158 = arith.index_cast %swap3A_157 : i32 to index
      %swap3A_159 = arith.constant 32 : index
      %swap3A_160 = tpu.vector_load %arg6[%swap3A_158, %swap3A_159] {strides = array<i32>} : memref<8x128xf32, #tpu.memory_space<vmem>>, vector<1x16xf32>,
      %swap3A_161 = vector.shape_cast %swap3A_160 : vector<1x16xf32> to vector<16xf32>
      %swap3A_162 = vector.shape_cast %broadcast_in_dim3A_156 : vector<16xf32> to vector<1x16xf32>
      tpu.vector_store %arg6[%swap3A_158, %swap3A_159], %swap3A_162 {strides = array<i32>} : memref<8x128xf32, #tpu.memory_space<vmem>>, vector<1x16xf32>,
      %broadcast_in_dim3A_163 = arith.constant 1.000000e+00 : f32
      %broadcast_in_dim3A_164 = vector.broadcast %broadcast_in_dim3A_163 : f32 to vector<16xf32>
      %swap3A_165 = arith.constant 2 : i32
      %swap3A_166 = arith.index_cast %swap3A_165 : i32 to index
      %swap3A_167 = arith.constant 48 : index
      %swap3A_168 = tpu.vector_load %arg6[%swap3A_166, %swap3A_167] {strides = array<i32>} : memref<8x128xf32, #tpu.memory_space<vmem>>, vector<1x16xf32>,
      %swap3A_169 = vector.shape_cast %swap3A_168 : vector<1x16xf32> to vector<16xf32>
      %swap3A_170 = vector.shape_cast %broadcast_in_dim3A_164 : vector<16xf32> to vector<1x16xf32>
      tpu.vector_store %arg6[%swap3A_166, %swap3A_167], %swap3A_170 {strides = array<i32>} : memref<8x128xf32, #tpu.memory_space<vmem>>, vector<1x16xf32>,
      %broadcast_in_dim3A_171 = arith.constant 1.000000e+00 : f32
      %broadcast_in_dim3A_172 = vector.broadcast %broadcast_in_dim3A_171 : f32 to vector<16xf32>
      %swap3A_173 = arith.constant 2 : i32
      %swap3A_174 = arith.index_cast %swap3A_173 : i32 to index
      %swap3A_175 = arith.constant 64 : index
      %swap3A_176 = tpu.vector_load %arg6[%swap3A_174, %swap3A_175] {strides = array<i32>} : memref<8x128xf32, #tpu.memory_space<vmem>>, vector<1x16xf32>,
      %swap3A_177 = vector.shape_cast %swap3A_176 : vector<1x16xf32> to vector<16xf32>
      %swap3A_178 = vector.shape_cast %broadcast_in_dim3A_172 : vector<16xf32> to vector<1x16xf32>
      tpu.vector_store %arg6[%swap3A_174, %swap3A_175], %swap3A_178 {strides = array<i32>} : memref<8x128xf32, #tpu.memory_space<vmem>>, vector<1x16xf32>,
      %broadcast_in_dim3A_179 = arith.constant 1.000000e+00 : f32
      %broadcast_in_dim3A_180 = vector.broadcast %broadcast_in_dim3A_179 : f32 to vector<16xf32>
      %swap3A_181 = arith.constant 2 : i32
      %swap3A_182 = arith.index_cast %swap3A_181 : i32 to index
      %swap3A_183 = arith.constant 80 : index
      %swap3A_184 = tpu.vector_load %arg6[%swap3A_182, %swap3A_183] {strides = array<i32>} : memref<8x128xf32, #tpu.memory_space<vmem>>, vector<1x16xf32>,
      %swap3A_185 = vector.shape_cast %swap3A_184 : vector<1x16xf32> to vector<16xf32>
      %swap3A_186 = vector.shape_cast %broadcast_in_dim3A_180 : vector<16xf32> to vector<1x16xf32>
      tpu.vector_store %arg6[%swap3A_182, %swap3A_183], %swap3A_186 {strides = array<i32>} : memref<8x128xf32, #tpu.memory_space<vmem>>, vector<1x16xf32>,
      %broadcast_in_dim3A_187 = arith.constant 1.000000e+00 : f32
      %broadcast_in_dim3A_188 = vector.broadcast %broadcast_in_dim3A_187 : f32 to vector<16xf32>
      %swap3A_189 = arith.constant 2 : i32
      %swap3A_190 = arith.index_cast %swap3A_189 : i32 to index
      %swap3A_191 = arith.constant 96 : index
      %swap3A_192 = tpu.vector_load %arg6[%swap3A_190, %swap3A_191] {strides = array<i32>} : memref<8x128xf32, #tpu.memory_space<vmem>>, vector<1x16xf32>,
      %swap3A_193 = vector.shape_cast %swap3A_192 : vector<1x16xf32> to vector<16xf32>
      %swap3A_194 = vector.shape_cast %broadcast_in_dim3A_188 : vector<16xf32> to vector<1x16xf32>
      tpu.vector_store %arg6[%swap3A_190, %swap3A_191], %swap3A_194 {strides = array<i32>} : memref<8x128xf32, #tpu.memory_space<vmem>>, vector<1x16xf32>,
      %broadcast_in_dim3A_195 = arith.constant 1.000000e+00 : f32
      %broadcast_in_dim3A_196 = vector.broadcast %broadcast_in_dim3A_195 : f32 to vector<16xf32>
      %swap3A_197 = arith.constant 2 : i32
      %swap3A_198 = arith.index_cast %swap3A_197 : i32 to index
      %swap3A_199 = arith.constant 112 : index
      %swap3A_200 = tpu.vector_load %arg6[%swap3A_198, %swap3A_199] {strides = array<i32>} : memref<8x128xf32, #tpu.memory_space<vmem>>, vector<1x16xf32>,
      %swap3A_201 = vector.shape_cast %swap3A_200 : vector<1x16xf32> to vector<16xf32>
      %swap3A_202 = vector.shape_cast %broadcast_in_dim3A_196 : vector<16xf32> to vector<1x16xf32>
      tpu.vector_store %arg6[%swap3A_198, %swap3A_199], %swap3A_202 {strides = array<i32>} : memref<8x128xf32, #tpu.memory_space<vmem>>, vector<1x16xf32>,
      %broadcast_in_dim3A_203 = arith.constant 1.000000e+00 : f32
      %broadcast_in_dim3A_204 = vector.broadcast %broadcast_in_dim3A_203 : f32 to vector<16xf32>
      %swap3A_205 = arith.constant 3 : i32
      %swap3A_206 = arith.index_cast %swap3A_205 : i32 to index
      %swap3A_207 = arith.constant 0 : index
      %swap3A_208 = tpu.vector_load %arg6[%swap3A_206, %swap3A_207] {strides = array<i32>} : memref<8x128xf32, #tpu.memory_space<vmem>>, vector<1x16xf32>,
      %swap3A_209 = vector.shape_cast %swap3A_208 : vector<1x16xf32> to vector<16xf32>
      %swap3A_210 = vector.shape_cast %broadcast_in_dim3A_204 : vector<16xf32> to vector<1x16xf32>
      tpu.vector_store %arg6[%swap3A_206, %swap3A_207], %swap3A_210 {strides = array<i32>} : memref<8x128xf32, #tpu.memory_space<vmem>>, vector<1x16xf32>,
      %broadcast_in_dim3A_211 = arith.constant 1.000000e+00 : f32
      %broadcast_in_dim3A_212 = vector.broadcast %broadcast_in_dim3A_211 : f32 to vector<16xf32>
      %swap3A_213 = arith.constant 3 : i32
      %swap3A_214 = arith.index_cast %swap3A_213 : i32 to index
      %swap3A_215 = arith.constant 16 : index
      %swap3A_216 = tpu.vector_load %arg6[%swap3A_214, %swap3A_215] {strides = array<i32>} : memref<8x128xf32, #tpu.memory_space<vmem>>, vector<1x16xf32>,
      %swap3A_217 = vector.shape_cast %swap3A_216 : vector<1x16xf32> to vector<16xf32>
      %swap3A_218 = vector.shape_cast %broadcast_in_dim3A_212 : vector<16xf32> to vector<1x16xf32>
      tpu.vector_store %arg6[%swap3A_214, %swap3A_215], %swap3A_218 {strides = array<i32>} : memref<8x128xf32, #tpu.memory_space<vmem>>, vector<1x16xf32>,
      %broadcast_in_dim3A_219 = arith.constant 1.000000e+00 : f32
      %broadcast_in_dim3A_220 = vector.broadcast %broadcast_in_dim3A_219 : f32 to vector<16xf32>
      %swap3A_221 = arith.constant 3 : i32
      %swap3A_222 = arith.index_cast %swap3A_221 : i32 to index
      %swap3A_223 = arith.constant 32 : index
      %swap3A_224 = tpu.vector_load %arg6[%swap3A_222, %swap3A_223] {strides = array<i32>} : memref<8x128xf32, #tpu.memory_space<vmem>>, vector<1x16xf32>,
      %swap3A_225 = vector.shape_cast %swap3A_224 : vector<1x16xf32> to vector<16xf32>
      %swap3A_226 = vector.shape_cast %broadcast_in_dim3A_220 : vector<16xf32> to vector<1x16xf32>
      tpu.vector_store %arg6[%swap3A_222, %swap3A_223], %swap3A_226 {strides = array<i32>} : memref<8x128xf32, #tpu.memory_space<vmem>>, vector<1x16xf32>,
      %broadcast_in_dim3A_227 = arith.constant 1.000000e+00 : f32
      %broadcast_in_dim3A_228 = vector.broadcast %broadcast_in_dim3A_227 : f32 to vector<16xf32>
      %swap3A_229 = arith.constant 3 : i32
      %swap3A_230 = arith.index_cast %swap3A_229 : i32 to index
      %swap3A_231 = arith.constant 48 : index
      %swap3A_232 = tpu.vector_load %arg6[%swap3A_230, %swap3A_231] {strides = array<i32>} : memref<8x128xf32, #tpu.memory_space<vmem>>, vector<1x16xf32>,
      %swap3A_233 = vector.shape_cast %swap3A_232 : vector<1x16xf32> to vector<16xf32>
      %swap3A_234 = vector.shape_cast %broadcast_in_dim3A_228 : vector<16xf32> to vector<1x16xf32>
      tpu.vector_store %arg6[%swap3A_230, %swap3A_231], %swap3A_234 {strides = array<i32>} : memref<8x128xf32, #tpu.memory_space<vmem>>, vector<1x16xf32>,
      %broadcast_in_dim3A_235 = arith.constant 1.000000e+00 : f32
      %broadcast_in_dim3A_236 = vector.broadcast %broadcast_in_dim3A_235 : f32 to vector<16xf32>
      %swap3A_237 = arith.constant 3 : i32
      %swap3A_238 = arith.index_cast %swap3A_237 : i32 to index
      %swap3A_239 = arith.constant 64 : index
      %swap3A_240 = tpu.vector_load %arg6[%swap3A_238, %swap3A_239] {strides = array<i32>} : memref<8x128xf32, #tpu.memory_space<vmem>>, vector<1x16xf32>,
      %swap3A_241 = vector.shape_cast %swap3A_240 : vector<1x16xf32> to vector<16xf32>
      %swap3A_242 = vector.shape_cast %broadcast_in_dim3A_236 : vector<16xf32> to vector<1x16xf32>
      tpu.vector_store %arg6[%swap3A_238, %swap3A_239], %swap3A_242 {strides = array<i32>} : memref<8x128xf32, #tpu.memory_space<vmem>>, vector<1x16xf32>,
      %broadcast_in_dim3A_243 = arith.constant 1.000000e+00 : f32
      %broadcast_in_dim3A_244 = vector.broadcast %broadcast_in_dim3A_243 : f32 to vector<16xf32>
      %swap3A_245 = arith.constant 3 : i32
      %swap3A_246 = arith.index_cast %swap3A_245 : i32 to index
      %swap3A_247 = arith.constant 80 : index
      %swap3A_248 = tpu.vector_load %arg6[%swap3A_246, %swap3A_247] {strides = array<i32>} : memref<8x128xf32, #tpu.memory_space<vmem>>, vector<1x16xf32>,
      %swap3A_249 = vector.shape_cast %swap3A_248 : vector<1x16xf32> to vector<16xf32>
      %swap3A_250 = vector.shape_cast %broadcast_in_dim3A_244 : vector<16xf32> to vector<1x16xf32>
      tpu.vector_store %arg6[%swap3A_246, %swap3A_247], %swap3A_250 {strides = array<i32>} : memref<8x128xf32, #tpu.memory_space<vmem>>, vector<1x16xf32>,
      %broadcast_in_dim3A_251 = arith.constant 1.000000e+00 : f32
      %broadcast_in_dim3A_252 = vector.broadcast %broadcast_in_dim3A_251 : f32 to vector<16xf32>
      %swap3A_253 = arith.constant 3 : i32
      %swap3A_254 = arith.index_cast %swap3A_253 : i32 to index
      %swap3A_255 = arith.constant 96 : index
      %swap3A_256 = tpu.vector_load %arg6[%swap3A_254, %swap3A_255] {strides = array<i32>} : memref<8x128xf32, #tpu.memory_space<vmem>>, vector<1x16xf32>,
      %swap3A_257 = vector.shape_cast %swap3A_256 : vector<1x16xf32> to vector<16xf32>
      %swap3A_258 = vector.shape_cast %broadcast_in_dim3A_252 : vector<16xf32> to vector<1x16xf32>
      tpu.vector_store %arg6[%swap3A_254, %swap3A_255], %swap3A_258 {strides = array<i32>} : memref<8x128xf32, #tpu.memory_space<vmem>>, vector<1x16xf32>,
      %broadcast_in_dim3A_259 = arith.constant 1.000000e+00 : f32
      %broadcast_in_dim3A_260 = vector.broadcast %broadcast_in_dim3A_259 : f32 to vector<16xf32>
      %swap3A_261 = arith.constant 3 : i32
      %swap3A_262 = arith.index_cast %swap3A_261 : i32 to index
      %swap3A_263 = arith.constant 112 : index
      %swap3A_264 = tpu.vector_load %arg6[%swap3A_262, %swap3A_263] {strides = array<i32>} : memref<8x128xf32, #tpu.memory_space<vmem>>, vector<1x16xf32>,
      %swap3A_265 = vector.shape_cast %swap3A_264 : vector<1x16xf32> to vector<16xf32>
      %swap3A_266 = vector.shape_cast %broadcast_in_dim3A_260 : vector<16xf32> to vector<1x16xf32>
      tpu.vector_store %arg6[%swap3A_262, %swap3A_263], %swap3A_266 {strides = array<i32>} : memref<8x128xf32, #tpu.memory_space<vmem>>, vector<1x16xf32>,
      %broadcast_in_dim3A_267 = arith.constant 1.000000e+00 : f32
      %broadcast_in_dim3A_268 = vector.broadcast %broadcast_in_dim3A_267 : f32 to vector<16xf32>
      %swap3A_269 = arith.constant 4 : i32
      %swap3A_270 = arith.index_cast %swap3A_269 : i32 to index
      %swap3A_271 = arith.constant 0 : index
      %swap3A_272 = tpu.vector_load %arg6[%swap3A_270, %swap3A_271] {strides = array<i32>} : memref<8x128xf32, #tpu.memory_space<vmem>>, vector<1x16xf32>,
      %swap3A_273 = vector.shape_cast %swap3A_272 : vector<1x16xf32> to vector<16xf32>
      %swap3A_274 = vector.shape_cast %broadcast_in_dim3A_268 : vector<16xf32> to vector<1x16xf32>
      tpu.vector_store %arg6[%swap3A_270, %swap3A_271], %swap3A_274 {strides = array<i32>} : memref<8x128xf32, #tpu.memory_space<vmem>>, vector<1x16xf32>,
      %broadcast_in_dim3A_275 = arith.constant 1.000000e+00 : f32
      %broadcast_in_dim3A_276 = vector.broadcast %broadcast_in_dim3A_275 : f32 to vector<16xf32>
      %swap3A_277 = arith.constant 4 : i32
      %swap3A_278 = arith.index_cast %swap3A_277 : i32 to index
      %swap3A_279 = arith.constant 16 : index
      %swap3A_280 = tpu.vector_load %arg6[%swap3A_278, %swap3A_279] {strides = array<i32>} : memref<8x128xf32, #tpu.memory_space<vmem>>, vector<1x16xf32>,
      %swap3A_281 = vector.shape_cast %swap3A_280 : vector<1x16xf32> to vector<16xf32>
      %swap3A_282 = vector.shape_cast %broadcast_in_dim3A_276 : vector<16xf32> to vector<1x16xf32>
      tpu.vector_store %arg6[%swap3A_278, %swap3A_279], %swap3A_282 {strides = array<i32>} : memref<8x128xf32, #tpu.memory_space<vmem>>, vector<1x16xf32>,
      %broadcast_in_dim3A_283 = arith.constant 1.000000e+00 : f32
      %broadcast_in_dim3A_284 = vector.broadcast %broadcast_in_dim3A_283 : f32 to vector<16xf32>
      %swap3A_285 = arith.constant 4 : i32
      %swap3A_286 = arith.index_cast %swap3A_285 : i32 to index
      %swap3A_287 = arith.constant 32 : index
      %swap3A_288 = tpu.vector_load %arg6[%swap3A_286, %swap3A_287] {strides = array<i32>} : memref<8x128xf32, #tpu.memory_space<vmem>>, vector<1x16xf32>,
      %swap3A_289 = vector.shape_cast %swap3A_288 : vector<1x16xf32> to vector<16xf32>
      %swap3A_290 = vector.shape_cast %broadcast_in_dim3A_284 : vector<16xf32> to vector<1x16xf32>
      tpu.vector_store %arg6[%swap3A_286, %swap3A_287], %swap3A_290 {strides = array<i32>} : memref<8x128xf32, #tpu.memory_space<vmem>>, vector<1x16xf32>,
      %broadcast_in_dim3A_291 = arith.constant 1.000000e+00 : f32
      %broadcast_in_dim3A_292 = vector.broadcast %broadcast_in_dim3A_291 : f32 to vector<16xf32>
      %swap3A_293 = arith.constant 4 : i32
      %swap3A_294 = arith.index_cast %swap3A_293 : i32 to index
      %swap3A_295 = arith.constant 48 : index
      %swap3A_296 = tpu.vector_load %arg6[%swap3A_294, %swap3A_295] {strides = array<i32>} : memref<8x128xf32, #tpu.memory_space<vmem>>, vector<1x16xf32>,
      %swap3A_297 = vector.shape_cast %swap3A_296 : vector<1x16xf32> to vector<16xf32>
      %swap3A_298 = vector.shape_cast %broadcast_in_dim3A_292 : vector<16xf32> to vector<1x16xf32>
      tpu.vector_store %arg6[%swap3A_294, %swap3A_295], %swap3A_298 {strides = array<i32>} : memref<8x128xf32, #tpu.memory_space<vmem>>, vector<1x16xf32>,
      %broadcast_in_dim3A_299 = arith.constant 1.000000e+00 : f32
      %broadcast_in_dim3A_300 = vector.broadcast %broadcast_in_dim3A_299 : f32 to vector<16xf32>
      %swap3A_301 = arith.constant 4 : i32
      %swap3A_302 = arith.index_cast %swap3A_301 : i32 to index
      %swap3A_303 = arith.constant 64 : index
      %swap3A_304 = tpu.vector_load %arg6[%swap3A_302, %swap3A_303] {strides = array<i32>} : memref<8x128xf32, #tpu.memory_space<vmem>>, vector<1x16xf32>,
      %swap3A_305 = vector.shape_cast %swap3A_304 : vector<1x16xf32> to vector<16xf32>
      %swap3A_306 = vector.shape_cast %broadcast_in_dim3A_300 : vector<16xf32> to vector<1x16xf32>
      tpu.vector_store %arg6[%swap3A_302, %swap3A_303], %swap3A_306 {strides = array<i32>} : memref<8x128xf32, #tpu.memory_space<vmem>>, vector<1x16xf32>,
      %broadcast_in_dim3A_307 = arith.constant 1.000000e+00 : f32
      %broadcast_in_dim3A_308 = vector.broadcast %broadcast_in_dim3A_307 : f32 to vector<16xf32>
      %swap3A_309 = arith.constant 4 : i32
      %swap3A_310 = arith.index_cast %swap3A_309 : i32 to index
      %swap3A_311 = arith.constant 80 : index
      %swap3A_312 = tpu.vector_load %arg6[%swap3A_310, %swap3A_311] {strides = array<i32>} : memref<8x128xf32, #tpu.memory_space<vmem>>, vector<1x16xf32>,
      %swap3A_313 = vector.shape_cast %swap3A_312 : vector<1x16xf32> to vector<16xf32>
      %swap3A_314 = vector.shape_cast %broadcast_in_dim3A_308 : vector<16xf32> to vector<1x16xf32>
      tpu.vector_store %arg6[%swap3A_310, %swap3A_311], %swap3A_314 {strides = array<i32>} : memref<8x128xf32, #tpu.memory_space<vmem>>, vector<1x16xf32>,
      %broadcast_in_dim3A_315 = arith.constant 1.000000e+00 : f32
      %broadcast_in_dim3A_316 = vector.broadcast %broadcast_in_dim3A_315 : f32 to vector<16xf32>
      %swap3A_317 = arith.constant 4 : i32
      %swap3A_318 = arith.index_cast %swap3A_317 : i32 to index
      %swap3A_319 = arith.constant 96 : index
      %swap3A_320 = tpu.vector_load %arg6[%swap3A_318, %swap3A_319] {strides = array<i32>} : memref<8x128xf32, #tpu.memory_space<vmem>>, vector<1x16xf32>,
      %swap3A_321 = vector.shape_cast %swap3A_320 : vector<1x16xf32> to vector<16xf32>
      %swap3A_322 = vector.shape_cast %broadcast_in_dim3A_316 : vector<16xf32> to vector<1x16xf32>
      tpu.vector_store %arg6[%swap3A_318, %swap3A_319], %swap3A_322 {strides = array<i32>} : memref<8x128xf32, #tpu.memory_space<vmem>>, vector<1x16xf32>,
      %broadcast_in_dim3A_323 = arith.constant 1.000000e+00 : f32
      %broadcast_in_dim3A_324 = vector.broadcast %broadcast_in_dim3A_323 : f32 to vector<16xf32>
      %swap3A_325 = arith.constant 4 : i32
      %swap3A_326 = arith.index_cast %swap3A_325 : i32 to index
      %swap3A_327 = arith.constant 112 : index
      %swap3A_328 = tpu.vector_load %arg6[%swap3A_326, %swap3A_327] {strides = array<i32>} : memref<8x128xf32, #tpu.memory_space<vmem>>, vector<1x16xf32>,
      %swap3A_329 = vector.shape_cast %swap3A_328 : vector<1x16xf32> to vector<16xf32>
      %swap3A_330 = vector.shape_cast %broadcast_in_dim3A_324 : vector<16xf32> to vector<1x16xf32>
      tpu.vector_store %arg6[%swap3A_326, %swap3A_327], %swap3A_330 {strides = array<i32>} : memref<8x128xf32, #tpu.memory_space<vmem>>, vector<1x16xf32>,
      %broadcast_in_dim3A_331 = arith.constant 1.000000e+00 : f32
      %broadcast_in_dim3A_332 = vector.broadcast %broadcast_in_dim3A_331 : f32 to vector<16xf32>
      %swap3A_333 = arith.constant 5 : i32
      %swap3A_334 = arith.index_cast %swap3A_333 : i32 to index
      %swap3A_335 = arith.constant 0 : index
      %swap3A_336 = tpu.vector_load %arg6[%swap3A_334, %swap3A_335] {strides = array<i32>} : memref<8x128xf32, #tpu.memory_space<vmem>>, vector<1x16xf32>,
      %swap3A_337 = vector.shape_cast %swap3A_336 : vector<1x16xf32> to vector<16xf32>
      %swap3A_338 = vector.shape_cast %broadcast_in_dim3A_332 : vector<16xf32> to vector<1x16xf32>
      tpu.vector_store %arg6[%swap3A_334, %swap3A_335], %swap3A_338 {strides = array<i32>} : memref<8x128xf32, #tpu.memory_space<vmem>>, vector<1x16xf32>,
      %broadcast_in_dim3A_339 = arith.constant 1.000000e+00 : f32
      %broadcast_in_dim3A_340 = vector.broadcast %broadcast_in_dim3A_339 : f32 to vector<16xf32>
      %swap3A_341 = arith.constant 5 : i32
      %swap3A_342 = arith.index_cast %swap3A_341 : i32 to index
      %swap3A_343 = arith.constant 16 : index
      %swap3A_344 = tpu.vector_load %arg6[%swap3A_342, %swap3A_343] {strides = array<i32>} : memref<8x128xf32, #tpu.memory_space<vmem>>, vector<1x16xf32>,
      %swap3A_345 = vector.shape_cast %swap3A_344 : vector<1x16xf32> to vector<16xf32>
      %swap3A_346 = vector.shape_cast %broadcast_in_dim3A_340 : vector<16xf32> to vector<1x16xf32>
      tpu.vector_store %arg6[%swap3A_342, %swap3A_343], %swap3A_346 {strides = array<i32>} : memref<8x128xf32, #tpu.memory_space<vmem>>, vector<1x16xf32>,
      %broadcast_in_dim3A_347 = arith.constant 1.000000e+00 : f32
      %broadcast_in_dim3A_348 = vector.broadcast %broadcast_in_dim3A_347 : f32 to vector<16xf32>
      %swap3A_349 = arith.constant 5 : i32
      %swap3A_350 = arith.index_cast %swap3A_349 : i32 to index
      %swap3A_351 = arith.constant 32 : index
      %swap3A_352 = tpu.vector_load %arg6[%swap3A_350, %swap3A_351] {strides = array<i32>} : memref<8x128xf32, #tpu.memory_space<vmem>>, vector<1x16xf32>,
      %swap3A_353 = vector.shape_cast %swap3A_352 : vector<1x16xf32> to vector<16xf32>
      %swap3A_354 = vector.shape_cast %broadcast_in_dim3A_348 : vector<16xf32> to vector<1x16xf32>
      tpu.vector_store %arg6[%swap3A_350, %swap3A_351], %swap3A_354 {strides = array<i32>} : memref<8x128xf32, #tpu.memory_space<vmem>>, vector<1x16xf32>,
      %broadcast_in_dim3A_355 = arith.constant 1.000000e+00 : f32
      %broadcast_in_dim3A_356 = vector.broadcast %broadcast_in_dim3A_355 : f32 to vector<16xf32>
      %swap3A_357 = arith.constant 5 : i32
      %swap3A_358 = arith.index_cast %swap3A_357 : i32 to index
      %swap3A_359 = arith.constant 48 : index
      %swap3A_360 = tpu.vector_load %arg6[%swap3A_358, %swap3A_359] {strides = array<i32>} : memref<8x128xf32, #tpu.memory_space<vmem>>, vector<1x16xf32>,
      %swap3A_361 = vector.shape_cast %swap3A_360 : vector<1x16xf32> to vector<16xf32>
      %swap3A_362 = vector.shape_cast %broadcast_in_dim3A_356 : vector<16xf32> to vector<1x16xf32>
      tpu.vector_store %arg6[%swap3A_358, %swap3A_359], %swap3A_362 {strides = array<i32>} : memref<8x128xf32, #tpu.memory_space<vmem>>, vector<1x16xf32>,
      %broadcast_in_dim3A_363 = arith.constant 1.000000e+00 : f32
      %broadcast_in_dim3A_364 = vector.broadcast %broadcast_in_dim3A_363 : f32 to vector<16xf32>
      %swap3A_365 = arith.constant 5 : i32
      %swap3A_366 = arith.index_cast %swap3A_365 : i32 to index
      %swap3A_367 = arith.constant 64 : index
      %swap3A_368 = tpu.vector_load %arg6[%swap3A_366, %swap3A_367] {strides = array<i32>} : memref<8x128xf32, #tpu.memory_space<vmem>>, vector<1x16xf32>,
      %swap3A_369 = vector.shape_cast %swap3A_368 : vector<1x16xf32> to vector<16xf32>
      %swap3A_370 = vector.shape_cast %broadcast_in_dim3A_364 : vector<16xf32> to vector<1x16xf32>
      tpu.vector_store %arg6[%swap3A_366, %swap3A_367], %swap3A_370 {strides = array<i32>} : memref<8x128xf32, #tpu.memory_space<vmem>>, vector<1x16xf32>,
      %broadcast_in_dim3A_371 = arith.constant 1.000000e+00 : f32
      %broadcast_in_dim3A_372 = vector.broadcast %broadcast_in_dim3A_371 : f32 to vector<16xf32>
      %swap3A_373 = arith.constant 5 : i32
      %swap3A_374 = arith.index_cast %swap3A_373 : i32 to index
      %swap3A_375 = arith.constant 80 : index
      %swap3A_376 = tpu.vector_load %arg6[%swap3A_374, %swap3A_375] {strides = array<i32>} : memref<8x128xf32, #tpu.memory_space<vmem>>, vector<1x16xf32>,
      %swap3A_377 = vector.shape_cast %swap3A_376 : vector<1x16xf32> to vector<16xf32>
      %swap3A_378 = vector.shape_cast %broadcast_in_dim3A_372 : vector<16xf32> to vector<1x16xf32>
      tpu.vector_store %arg6[%swap3A_374, %swap3A_375], %swap3A_378 {strides = array<i32>} : memref<8x128xf32, #tpu.memory_space<vmem>>, vector<1x16xf32>,
      %broadcast_in_dim3A_379 = arith.constant 1.000000e+00 : f32
      %broadcast_in_dim3A_380 = vector.broadcast %broadcast_in_dim3A_379 : f32 to vector<16xf32>
      %swap3A_381 = arith.constant 5 : i32
      %swap3A_382 = arith.index_cast %swap3A_381 : i32 to index
      %swap3A_383 = arith.constant 96 : index
      %swap3A_384 = tpu.vector_load %arg6[%swap3A_382, %swap3A_383] {strides = array<i32>} : memref<8x128xf32, #tpu.memory_space<vmem>>, vector<1x16xf32>,
      %swap3A_385 = vector.shape_cast %swap3A_384 : vector<1x16xf32> to vector<16xf32>
      %swap3A_386 = vector.shape_cast %broadcast_in_dim3A_380 : vector<16xf32> to vector<1x16xf32>
      tpu.vector_store %arg6[%swap3A_382, %swap3A_383], %swap3A_386 {strides = array<i32>} : memref<8x128xf32, #tpu.memory_space<vmem>>, vector<1x16xf32>,
      %broadcast_in_dim3A_387 = arith.constant 1.000000e+00 : f32
      %broadcast_in_dim3A_388 = vector.broadcast %broadcast_in_dim3A_387 : f32 to vector<16xf32>
      %swap3A_389 = arith.constant 5 : i32
      %swap3A_390 = arith.index_cast %swap3A_389 : i32 to index
      %swap3A_391 = arith.constant 112 : index
      %swap3A_392 = tpu.vector_load %arg6[%swap3A_390, %swap3A_391] {strides = array<i32>} : memref<8x128xf32, #tpu.memory_space<vmem>>, vector<1x16xf32>,
      %swap3A_393 = vector.shape_cast %swap3A_392 : vector<1x16xf32> to vector<16xf32>
      %swap3A_394 = vector.shape_cast %broadcast_in_dim3A_388 : vector<16xf32> to vector<1x16xf32>
      tpu.vector_store %arg6[%swap3A_390, %swap3A_391], %swap3A_394 {strides = array<i32>} : memref<8x128xf32, #tpu.memory_space<vmem>>, vector<1x16xf32>,
      %broadcast_in_dim3A_395 = arith.constant 1.000000e+00 : f32
      %broadcast_in_dim3A_396 = vector.broadcast %broadcast_in_dim3A_395 : f32 to vector<16xf32>
      %swap3A_397 = arith.constant 6 : i32
      %swap3A_398 = arith.index_cast %swap3A_397 : i32 to index
      %swap3A_399 = arith.constant 0 : index
      %swap3A_400 = tpu.vector_load %arg6[%swap3A_398, %swap3A_399] {strides = array<i32>} : memref<8x128xf32, #tpu.memory_space<vmem>>, vector<1x16xf32>,
      %swap3A_401 = vector.shape_cast %swap3A_400 : vector<1x16xf32> to vector<16xf32>
      %swap3A_402 = vector.shape_cast %broadcast_in_dim3A_396 : vector<16xf32> to vector<1x16xf32>
      tpu.vector_store %arg6[%swap3A_398, %swap3A_399], %swap3A_402 {strides = array<i32>} : memref<8x128xf32, #tpu.memory_space<vmem>>, vector<1x16xf32>,
      %broadcast_in_dim3A_403 = arith.constant 1.000000e+00 : f32
      %broadcast_in_dim3A_404 = vector.broadcast %broadcast_in_dim3A_403 : f32 to vector<16xf32>
      %swap3A_405 = arith.constant 6 : i32
      %swap3A_406 = arith.index_cast %swap3A_405 : i32 to index
      %swap3A_407 = arith.constant 16 : index
      %swap3A_408 = tpu.vector_load %arg6[%swap3A_406, %swap3A_407] {strides = array<i32>} : memref<8x128xf32, #tpu.memory_space<vmem>>, vector<1x16xf32>,
      %swap3A_409 = vector.shape_cast %swap3A_408 : vector<1x16xf32> to vector<16xf32>
      %swap3A_410 = vector.shape_cast %broadcast_in_dim3A_404 : vector<16xf32> to vector<1x16xf32>
      tpu.vector_store %arg6[%swap3A_406, %swap3A_407], %swap3A_410 {strides = array<i32>} : memref<8x128xf32, #tpu.memory_space<vmem>>, vector<1x16xf32>,
      %broadcast_in_dim3A_411 = arith.constant 1.000000e+00 : f32
      %broadcast_in_dim3A_412 = vector.broadcast %broadcast_in_dim3A_411 : f32 to vector<16xf32>
      %swap3A_413 = arith.constant 6 : i32
      %swap3A_414 = arith.index_cast %swap3A_413 : i32 to index
      %swap3A_415 = arith.constant 32 : index
      %swap3A_416 = tpu.vector_load %arg6[%swap3A_414, %swap3A_415] {strides = array<i32>} : memref<8x128xf32, #tpu.memory_space<vmem>>, vector<1x16xf32>,
      %swap3A_417 = vector.shape_cast %swap3A_416 : vector<1x16xf32> to vector<16xf32>
      %swap3A_418 = vector.shape_cast %broadcast_in_dim3A_412 : vector<16xf32> to vector<1x16xf32>
      tpu.vector_store %arg6[%swap3A_414, %swap3A_415], %swap3A_418 {strides = array<i32>} : memref<8x128xf32, #tpu.memory_space<vmem>>, vector<1x16xf32>,
      %broadcast_in_dim3A_419 = arith.constant 1.000000e+00 : f32
      %broadcast_in_dim3A_420 = vector.broadcast %broadcast_in_dim3A_419 : f32 to vector<16xf32>
      %swap3A_421 = arith.constant 6 : i32
      %swap3A_422 = arith.index_cast %swap3A_421 : i32 to index
      %swap3A_423 = arith.constant 48 : index
      %swap3A_424 = tpu.vector_load %arg6[%swap3A_422, %swap3A_423] {strides = array<i32>} : memref<8x128xf32, #tpu.memory_space<vmem>>, vector<1x16xf32>,
      %swap3A_425 = vector.shape_cast %swap3A_424 : vector<1x16xf32> to vector<16xf32>
      %swap3A_426 = vector.shape_cast %broadcast_in_dim3A_420 : vector<16xf32> to vector<1x16xf32>
      tpu.vector_store %arg6[%swap3A_422, %swap3A_423], %swap3A_426 {strides = array<i32>} : memref<8x128xf32, #tpu.memory_space<vmem>>, vector<1x16xf32>,
      %broadcast_in_dim3A_427 = arith.constant 1.000000e+00 : f32
      %broadcast_in_dim3A_428 = vector.broadcast %broadcast_in_dim3A_427 : f32 to vector<16xf32>
      %swap3A_429 = arith.constant 6 : i32
      %swap3A_430 = arith.index_cast %swap3A_429 : i32 to index
      %swap3A_431 = arith.constant 64 : index
      %swap3A_432 = tpu.vector_load %arg6[%swap3A_430, %swap3A_431] {strides = array<i32>} : memref<8x128xf32, #tpu.memory_space<vmem>>, vector<1x16xf32>,
      %swap3A_433 = vector.shape_cast %swap3A_432 : vector<1x16xf32> to vector<16xf32>
      %swap3A_434 = vector.shape_cast %broadcast_in_dim3A_428 : vector<16xf32> to vector<1x16xf32>
      tpu.vector_store %arg6[%swap3A_430, %swap3A_431], %swap3A_434 {strides = array<i32>} : memref<8x128xf32, #tpu.memory_space<vmem>>, vector<1x16xf32>,
      %broadcast_in_dim3A_435 = arith.constant 1.000000e+00 : f32
      %broadcast_in_dim3A_436 = vector.broadcast %broadcast_in_dim3A_435 : f32 to vector<16xf32>
      %swap3A_437 = arith.constant 6 : i32
      %swap3A_438 = arith.index_cast %swap3A_437 : i32 to index
      %swap3A_439 = arith.constant 80 : index
      %swap3A_440 = tpu.vector_load %arg6[%swap3A_438, %swap3A_439] {strides = array<i32>} : memref<8x128xf32, #tpu.memory_space<vmem>>, vector<1x16xf32>,
      %swap3A_441 = vector.shape_cast %swap3A_440 : vector<1x16xf32> to vector<16xf32>
      %swap3A_442 = vector.shape_cast %broadcast_in_dim3A_436 : vector<16xf32> to vector<1x16xf32>
      tpu.vector_store %arg6[%swap3A_438, %swap3A_439], %swap3A_442 {strides = array<i32>} : memref<8x128xf32, #tpu.memory_space<vmem>>, vector<1x16xf32>,
      %broadcast_in_dim3A_443 = arith.constant 1.000000e+00 : f32
      %broadcast_in_dim3A_444 = vector.broadcast %broadcast_in_dim3A_443 : f32 to vector<16xf32>
      %swap3A_445 = arith.constant 6 : i32
      %swap3A_446 = arith.index_cast %swap3A_445 : i32 to index
      %swap3A_447 = arith.constant 96 : index
      %swap3A_448 = tpu.vector_load %arg6[%swap3A_446, %swap3A_447] {strides = array<i32>} : memref<8x128xf32, #tpu.memory_space<vmem>>, vector<1x16xf32>,
      %swap3A_449 = vector.shape_cast %swap3A_448 : vector<1x16xf32> to vector<16xf32>
      %swap3A_450 = vector.shape_cast %broadcast_in_dim3A_444 : vector<16xf32> to vector<1x16xf32>
      tpu.vector_store %arg6[%swap3A_446, %swap3A_447], %swap3A_450 {strides = array<i32>} : memref<8x128xf32, #tpu.memory_space<vmem>>, vector<1x16xf32>,
      %broadcast_in_dim3A_451 = arith.constant 1.000000e+00 : f32
      %broadcast_in_dim3A_452 = vector.broadcast %broadcast_in_dim3A_451 : f32 to vector<16xf32>
      %swap3A_453 = arith.constant 6 : i32
      %swap3A_454 = arith.index_cast %swap3A_453 : i32 to index
      %swap3A_455 = arith.constant 112 : index
      %swap3A_456 = tpu.vector_load %arg6[%swap3A_454, %swap3A_455] {strides = array<i32>} : memref<8x128xf32, #tpu.memory_space<vmem>>, vector<1x16xf32>,
      %swap3A_457 = vector.shape_cast %swap3A_456 : vector<1x16xf32> to vector<16xf32>
      %swap3A_458 = vector.shape_cast %broadcast_in_dim3A_452 : vector<16xf32> to vector<1x16xf32>
      tpu.vector_store %arg6[%swap3A_454, %swap3A_455], %swap3A_458 {strides = array<i32>} : memref<8x128xf32, #tpu.memory_space<vmem>>, vector<1x16xf32>,
      %broadcast_in_dim3A_459 = arith.constant 1.000000e+00 : f32
      %broadcast_in_dim3A_460 = vector.broadcast %broadcast_in_dim3A_459 : f32 to vector<16xf32>
      %swap3A_461 = arith.constant 7 : i32
      %swap3A_462 = arith.index_cast %swap3A_461 : i32 to index
      %swap3A_463 = arith.constant 0 : index
      %swap3A_464 = tpu.vector_load %arg6[%swap3A_462, %swap3A_463] {strides = array<i32>} : memref<8x128xf32, #tpu.memory_space<vmem>>, vector<1x16xf32>,
      %swap3A_465 = vector.shape_cast %swap3A_464 : vector<1x16xf32> to vector<16xf32>
      %swap3A_466 = vector.shape_cast %broadcast_in_dim3A_460 : vector<16xf32> to vector<1x16xf32>
      tpu.vector_store %arg6[%swap3A_462, %swap3A_463], %swap3A_466 {strides = array<i32>} : memref<8x128xf32, #tpu.memory_space<vmem>>, vector<1x16xf32>,
      %broadcast_in_dim3A_467 = arith.constant 1.000000e+00 : f32
      %broadcast_in_dim3A_468 = vector.broadcast %broadcast_in_dim3A_467 : f32 to vector<16xf32>
      %swap3A_469 = arith.constant 7 : i32
      %swap3A_470 = arith.index_cast %swap3A_469 : i32 to index
      %swap3A_471 = arith.constant 16 : index
      %swap3A_472 = tpu.vector_load %arg6[%swap3A_470, %swap3A_471] {strides = array<i32>} : memref<8x128xf32, #tpu.memory_space<vmem>>, vector<1x16xf32>,
      %swap3A_473 = vector.shape_cast %swap3A_472 : vector<1x16xf32> to vector<16xf32>
      %swap3A_474 = vector.shape_cast %broadcast_in_dim3A_468 : vector<16xf32> to vector<1x16xf32>
      tpu.vector_store %arg6[%swap3A_470, %swap3A_471], %swap3A_474 {strides = array<i32>} : memref<8x128xf32, #tpu.memory_space<vmem>>, vector<1x16xf32>,
      %broadcast_in_dim3A_475 = arith.constant 1.000000e+00 : f32
      %broadcast_in_dim3A_476 = vector.broadcast %broadcast_in_dim3A_475 : f32 to vector<16xf32>
      %swap3A_477 = arith.constant 7 : i32
      %swap3A_478 = arith.index_cast %swap3A_477 : i32 to index
      %swap3A_479 = arith.constant 32 : index
      %swap3A_480 = tpu.vector_load %arg6[%swap3A_478, %swap3A_479] {strides = array<i32>} : memref<8x128xf32, #tpu.memory_space<vmem>>, vector<1x16xf32>,
      %swap3A_481 = vector.shape_cast %swap3A_480 : vector<1x16xf32> to vector<16xf32>
      %swap3A_482 = vector.shape_cast %broadcast_in_dim3A_476 : vector<16xf32> to vector<1x16xf32>
      tpu.vector_store %arg6[%swap3A_478, %swap3A_479], %swap3A_482 {strides = array<i32>} : memref<8x128xf32, #tpu.memory_space<vmem>>, vector<1x16xf32>,
      %broadcast_in_dim3A_483 = arith.constant 1.000000e+00 : f32
      %broadcast_in_dim3A_484 = vector.broadcast %broadcast_in_dim3A_483 : f32 to vector<16xf32>
      %swap3A_485 = arith.constant 7 : i32
      %swap3A_486 = arith.index_cast %swap3A_485 : i32 to index
      %swap3A_487 = arith.constant 48 : index
      %swap3A_488 = tpu.vector_load %arg6[%swap3A_486, %swap3A_487] {strides = array<i32>} : memref<8x128xf32, #tpu.memory_space<vmem>>, vector<1x16xf32>,
      %swap3A_489 = vector.shape_cast %swap3A_488 : vector<1x16xf32> to vector<16xf32>
      %swap3A_490 = vector.shape_cast %broadcast_in_dim3A_484 : vector<16xf32> to vector<1x16xf32>
      tpu.vector_store %arg6[%swap3A_486, %swap3A_487], %swap3A_490 {strides = array<i32>} : memref<8x128xf32, #tpu.memory_space<vmem>>, vector<1x16xf32>,
      %broadcast_in_dim3A_491 = arith.constant 1.000000e+00 : f32
      %broadcast_in_dim3A_492 = vector.broadcast %broadcast_in_dim3A_491 : f32 to vector<16xf32>
      %swap3A_493 = arith.constant 7 : i32
      %swap3A_494 = arith.index_cast %swap3A_493 : i32 to index
      %swap3A_495 = arith.constant 64 : index
      %swap3A_496 = tpu.vector_load %arg6[%swap3A_494, %swap3A_495] {strides = array<i32>} : memref<8x128xf32, #tpu.memory_space<vmem>>, vector<1x16xf32>,
      %swap3A_497 = vector.shape_cast %swap3A_496 : vector<1x16xf32> to vector<16xf32>
      %swap3A_498 = vector.shape_cast %broadcast_in_dim3A_492 : vector<16xf32> to vector<1x16xf32>
      tpu.vector_store %arg6[%swap3A_494, %swap3A_495], %swap3A_498 {strides = array<i32>} : memref<8x128xf32, #tpu.memory_space<vmem>>, vector<1x16xf32>,
      %broadcast_in_dim3A_499 = arith.constant 1.000000e+00 : f32
      %broadcast_in_dim3A_500 = vector.broadcast %broadcast_in_dim3A_499 : f32 to vector<16xf32>
      %swap3A_501 = arith.constant 7 : i32
      %swap3A_502 = arith.index_cast %swap3A_501 : i32 to index
      %swap3A_503 = arith.constant 80 : index
      %swap3A_504 = tpu.vector_load %arg6[%swap3A_502, %swap3A_503] {strides = array<i32>} : memref<8x128xf32, #tpu.memory_space<vmem>>, vector<1x16xf32>,
      %swap3A_505 = vector.shape_cast %swap3A_504 : vector<1x16xf32> to vector<16xf32>
      %swap3A_506 = vector.shape_cast %broadcast_in_dim3A_500 : vector<16xf32> to vector<1x16xf32>
      tpu.vector_store %arg6[%swap3A_502, %swap3A_503], %swap3A_506 {strides = array<i32>} : memref<8x128xf32, #tpu.memory_space<vmem>>, vector<1x16xf32>,
      %broadcast_in_dim3A_507 = arith.constant 1.000000e+00 : f32
      %broadcast_in_dim3A_508 = vector.broadcast %broadcast_in_dim3A_507 : f32 to vector<16xf32>
      %swap3A_509 = arith.constant 7 : i32
      %swap3A_510 = arith.index_cast %swap3A_509 : i32 to index
      %swap3A_511 = arith.constant 96 : index
      %swap3A_512 = tpu.vector_load %arg6[%swap3A_510, %swap3A_511] {strides = array<i32>} : memref<8x128xf32, #tpu.memory_space<vmem>>, vector<1x16xf32>,
      %swap3A_513 = vector.shape_cast %swap3A_512 : vector<1x16xf32> to vector<16xf32>
      %swap3A_514 = vector.shape_cast %broadcast_in_dim3A_508 : vector<16xf32> to vector<1x16xf32>
      tpu.vector_store %arg6[%swap3A_510, %swap3A_511], %swap3A_514 {strides = array<i32>} : memref<8x128xf32, #tpu.memory_space<vmem>>, vector<1x16xf32>,
      %broadcast_in_dim3A_515 = arith.constant 1.000000e+00 : f32
      %broadcast_in_dim3A_516 = vector.broadcast %broadcast_in_dim3A_515 : f32 to vector<16xf32>
      %swap3A_517 = arith.constant 7 : i32
      %swap3A_518 = arith.index_cast %swap3A_517 : i32 to index
      %swap3A_519 = arith.constant 112 : index
      %swap3A_520 = tpu.vector_load %arg6[%swap3A_518, %swap3A_519] {strides = array<i32>} : memref<8x128xf32, #tpu.memory_space<vmem>>, vector<1x16xf32>,
      %swap3A_521 = vector.shape_cast %swap3A_520 : vector<1x16xf32> to vector<16xf32>
      %swap3A_522 = vector.shape_cast %broadcast_in_dim3A_516 : vector<16xf32> to vector<1x16xf32>
      tpu.vector_store %arg6[%swap3A_518, %swap3A_519], %swap3A_522 {strides = array<i32>} : memref<8x128xf32, #tpu.memory_space<vmem>>, vector<1x16xf32>,
      %mul3A = arith.constant 62720 : i32
      %mul3A_523 = arith.muli %arg1, %mul3A : i32
      %mul3A_524 = arith.constant 62720 : i32
      %mul3A_525 = arith.muli %arg1, %mul3A_524 : i32
      "tpu.region"() ({
        %run_scoped3A = tpu.sem_alloc : memref<!tpu.dma_semaphore, #tpu.memory_space<semaphore_mem>>
        %dma_start3A = tpu.memref_slice %arg7[%mul3A_525] : memref<1003520xf32, #tpu.memory_space<vmem_shared>> -> memref<62720xf32, #tpu.memory_space<vmem_shared>>
        %dma_start3A_526 = tpu.memref_slice %arg3[%mul3A_523] : memref<1003520xf32, #tpu.memory_space<hbm>> -> memref<62720xf32, #tpu.memory_space<hbm>>
        tpu.enqueue_dma source(%dma_start3A_526 : memref<62720xf32, #tpu.memory_space<hbm>>) target(%dma_start3A : memref<62720xf32, #tpu.memory_space<vmem_shared>>) target_semaphore(%run_scoped3A : memref<!tpu.dma_semaphore, #tpu.memory_space<semaphore_mem>>)
        %dma_wait3A = tpu.memref_slice %arg7[%mul3A_525] : memref<1003520xf32, #tpu.memory_space<vmem_shared>> -> memref<62720xf32, #tpu.memory_space<vmem_shared>>
        %dma_wait3A_527 = tpu.memref_slice %arg3[%mul3A_523] : memref<1003520xf32, #tpu.memory_space<hbm>> -> memref<62720xf32, #tpu.memory_space<hbm>>
        tpu.wait_dma2 semaphore(%run_scoped3A : memref<!tpu.dma_semaphore, #tpu.memory_space<semaphore_mem>>) src(%dma_wait3A_527 : memref<62720xf32, #tpu.memory_space<hbm>>) dst(%dma_wait3A : memref<62720xf32, #tpu.memory_space<vmem_shared>>)
        tpu.yield
      }) : () -> ()
    } else {
    }
    %barrier3A = arith.constant 0 : index
    tpu.barrier barrier_id(%barrier3A)
    %eq3A_2 = arith.constant 0 : i32
    %eq3A_3 = arith.cmpi eq, %arg0, %eq3A_2 : i32
    %convert_element_type3A_4 = arith.extui %eq3A_3 : i1 to i32
    %cond3A_5 = arith.constant 0 : i32
    %cond3A_6 = arith.cmpi ne, %convert_element_type3A_4, %cond3A_5 : i32
    scf.if %cond3A_6 {
      %run_scoped3A = arith.constant 0 : i32
      %run_scoped3A_13 = arith.constant 0 : i32
      "tpu.region"() ({
        %run_scoped3A_28 = tpu.sem_alloc : memref<!tpu.dma_semaphore, #tpu.memory_space<semaphore_mem>>
        %dma_start3A = arith.constant 0 : i32
        %dma_start3A_29 = tpu.memref_slice %arg6[%run_scoped3A, %dma_start3A] : memref<8x128xf32, #tpu.memory_space<vmem>> -> memref<1x128xf32, #tpu.memory_space<vmem>>
        %dma_start3A_30 = tpu.memref_squeeze %dma_start3A_29 : memref<1x128xf32, #tpu.memory_space<vmem>> -> memref<128xf32, #tpu.memory_space<vmem>>
        %dma_start3A_31 = arith.constant 0 : i32
        %dma_start3A_32 = tpu.memref_slice %arg5[%run_scoped3A_13, %dma_start3A_31] : memref<8x128xi32, #tpu.memory_space<vmem>> -> memref<1x128xi32, #tpu.memory_space<vmem>>
        %dma_start3A_33 = tpu.memref_squeeze %dma_start3A_32 : memref<1x128xi32, #tpu.memory_space<vmem>> -> memref<128xi32, #tpu.memory_space<vmem>>
        %dma_start3A_34 = arith.constant 0 : i32
        %dma_start3A_35 = tpu.memref_slice %arg7[%dma_start3A_34] : memref<1003520xf32, #tpu.memory_space<vmem_shared>> -> memref<1003520xf32, #tpu.memory_space<vmem_shared>>
        tpu.enqueue_indirect_dma source(%dma_start3A_30 : memref<128xf32, #tpu.memory_space<vmem>>) target(%dma_start3A_35 : memref<1003520xf32, #tpu.memory_space<vmem_shared>>) offsets(%dma_start3A_33 : memref<128xi32, #tpu.memory_space<vmem>>) semaphore(%run_scoped3A_28 : memref<!tpu.dma_semaphore, #tpu.memory_space<semaphore_mem>>) {add = true}
        %dma_wait3A = arith.constant 0 : i32
        %dma_wait3A_36 = tpu.memref_slice %arg6[%run_scoped3A, %dma_wait3A] : memref<8x128xf32, #tpu.memory_space<vmem>> -> memref<1x128xf32, #tpu.memory_space<vmem>>
        %dma_wait3A_37 = tpu.memref_squeeze %dma_wait3A_36 : memref<1x128xf32, #tpu.memory_space<vmem>> -> memref<128xf32, #tpu.memory_space<vmem>>
        %dma_wait3A_38 = arith.constant 0 : i32
        %dma_wait3A_39 = tpu.memref_slice %arg5[%run_scoped3A_13, %dma_wait3A_38] : memref<8x128xi32, #tpu.memory_space<vmem>> -> memref<1x128xi32, #tpu.memory_space<vmem>>
        %dma_wait3A_40 = tpu.memref_squeeze %dma_wait3A_39 : memref<1x128xi32, #tpu.memory_space<vmem>> -> memref<128xi32, #tpu.memory_space<vmem>>
        %dma_wait3A_41 = arith.constant 0 : i32
        %dma_wait3A_42 = tpu.memref_slice %arg7[%dma_wait3A_41] : memref<1003520xf32, #tpu.memory_space<vmem_shared>> -> memref<1003520xf32, #tpu.memory_space<vmem_shared>>
        tpu.wait_indirect_dma semaphore(%run_scoped3A_28 : memref<!tpu.dma_semaphore, #tpu.memory_space<semaphore_mem>>) src(%dma_wait3A_37 : memref<128xf32, #tpu.memory_space<vmem>>) dst(%dma_wait3A_42 : memref<1003520xf32, #tpu.memory_space<vmem_shared>>)
        tpu.yield
      }) : () -> ()
      %run_scoped3A_14 = arith.constant 1 : i32
      %run_scoped3A_15 = arith.constant 1 : i32
      "tpu.region"() ({
        %run_scoped3A_28 = tpu.sem_alloc : memref<!tpu.dma_semaphore, #tpu.memory_space<semaphore_mem>>
        %dma_start3A = arith.constant 0 : i32
        %dma_start3A_29 = tpu.memref_slice %arg6[%run_scoped3A_14, %dma_start3A] : memref<8x128xf32, #tpu.memory_space<vmem>> -> memref<1x128xf32, #tpu.memory_space<vmem>>
        %dma_start3A_30 = tpu.memref_squeeze %dma_start3A_29 : memref<1x128xf32, #tpu.memory_space<vmem>> -> memref<128xf32, #tpu.memory_space<vmem>>
        %dma_start3A_31 = arith.constant 0 : i32
        %dma_start3A_32 = tpu.memref_slice %arg5[%run_scoped3A_15, %dma_start3A_31] : memref<8x128xi32, #tpu.memory_space<vmem>> -> memref<1x128xi32, #tpu.memory_space<vmem>>
        %dma_start3A_33 = tpu.memref_squeeze %dma_start3A_32 : memref<1x128xi32, #tpu.memory_space<vmem>> -> memref<128xi32, #tpu.memory_space<vmem>>
        %dma_start3A_34 = arith.constant 0 : i32
        %dma_start3A_35 = tpu.memref_slice %arg7[%dma_start3A_34] : memref<1003520xf32, #tpu.memory_space<vmem_shared>> -> memref<1003520xf32, #tpu.memory_space<vmem_shared>>
        tpu.enqueue_indirect_dma source(%dma_start3A_30 : memref<128xf32, #tpu.memory_space<vmem>>) target(%dma_start3A_35 : memref<1003520xf32, #tpu.memory_space<vmem_shared>>) offsets(%dma_start3A_33 : memref<128xi32, #tpu.memory_space<vmem>>) semaphore(%run_scoped3A_28 : memref<!tpu.dma_semaphore, #tpu.memory_space<semaphore_mem>>) {add = true}
        %dma_wait3A = arith.constant 0 : i32
        %dma_wait3A_36 = tpu.memref_slice %arg6[%run_scoped3A_14, %dma_wait3A] : memref<8x128xf32, #tpu.memory_space<vmem>> -> memref<1x128xf32, #tpu.memory_space<vmem>>
        %dma_wait3A_37 = tpu.memref_squeeze %dma_wait3A_36 : memref<1x128xf32, #tpu.memory_space<vmem>> -> memref<128xf32, #tpu.memory_space<vmem>>
        %dma_wait3A_38 = arith.constant 0 : i32
        %dma_wait3A_39 = tpu.memref_slice %arg5[%run_scoped3A_15, %dma_wait3A_38] : memref<8x128xi32, #tpu.memory_space<vmem>> -> memref<1x128xi32, #tpu.memory_space<vmem>>
        %dma_wait3A_40 = tpu.memref_squeeze %dma_wait3A_39 : memref<1x128xi32, #tpu.memory_space<vmem>> -> memref<128xi32, #tpu.memory_space<vmem>>
        %dma_wait3A_41 = arith.constant 0 : i32
        %dma_wait3A_42 = tpu.memref_slice %arg7[%dma_wait3A_41] : memref<1003520xf32, #tpu.memory_space<vmem_shared>> -> memref<1003520xf32, #tpu.memory_space<vmem_shared>>
        tpu.wait_indirect_dma semaphore(%run_scoped3A_28 : memref<!tpu.dma_semaphore, #tpu.memory_space<semaphore_mem>>) src(%dma_wait3A_37 : memref<128xf32, #tpu.memory_space<vmem>>) dst(%dma_wait3A_42 : memref<1003520xf32, #tpu.memory_space<vmem_shared>>)
        tpu.yield
      }) : () -> ()
      %run_scoped3A_16 = arith.constant 2 : i32
      %run_scoped3A_17 = arith.constant 2 : i32
      "tpu.region"() ({
        %run_scoped3A_28 = tpu.sem_alloc : memref<!tpu.dma_semaphore, #tpu.memory_space<semaphore_mem>>
        %dma_start3A = arith.constant 0 : i32
        %dma_start3A_29 = tpu.memref_slice %arg6[%run_scoped3A_16, %dma_start3A] : memref<8x128xf32, #tpu.memory_space<vmem>> -> memref<1x128xf32, #tpu.memory_space<vmem>>
        %dma_start3A_30 = tpu.memref_squeeze %dma_start3A_29 : memref<1x128xf32, #tpu.memory_space<vmem>> -> memref<128xf32, #tpu.memory_space<vmem>>
        %dma_start3A_31 = arith.constant 0 : i32
        %dma_start3A_32 = tpu.memref_slice %arg5[%run_scoped3A_17, %dma_start3A_31] : memref<8x128xi32, #tpu.memory_space<vmem>> -> memref<1x128xi32, #tpu.memory_space<vmem>>
        %dma_start3A_33 = tpu.memref_squeeze %dma_start3A_32 : memref<1x128xi32, #tpu.memory_space<vmem>> -> memref<128xi32, #tpu.memory_space<vmem>>
        %dma_start3A_34 = arith.constant 0 : i32
        %dma_start3A_35 = tpu.memref_slice %arg7[%dma_start3A_34] : memref<1003520xf32, #tpu.memory_space<vmem_shared>> -> memref<1003520xf32, #tpu.memory_space<vmem_shared>>
        tpu.enqueue_indirect_dma source(%dma_start3A_30 : memref<128xf32, #tpu.memory_space<vmem>>) target(%dma_start3A_35 : memref<1003520xf32, #tpu.memory_space<vmem_shared>>) offsets(%dma_start3A_33 : memref<128xi32, #tpu.memory_space<vmem>>) semaphore(%run_scoped3A_28 : memref<!tpu.dma_semaphore, #tpu.memory_space<semaphore_mem>>) {add = true}
        %dma_wait3A = arith.constant 0 : i32
        %dma_wait3A_36 = tpu.memref_slice %arg6[%run_scoped3A_16, %dma_wait3A] : memref<8x128xf32, #tpu.memory_space<vmem>> -> memref<1x128xf32, #tpu.memory_space<vmem>>
        %dma_wait3A_37 = tpu.memref_squeeze %dma_wait3A_36 : memref<1x128xf32, #tpu.memory_space<vmem>> -> memref<128xf32, #tpu.memory_space<vmem>>
        %dma_wait3A_38 = arith.constant 0 : i32
        %dma_wait3A_39 = tpu.memref_slice %arg5[%run_scoped3A_17, %dma_wait3A_38] : memref<8x128xi32, #tpu.memory_space<vmem>> -> memref<1x128xi32, #tpu.memory_space<vmem>>
        %dma_wait3A_40 = tpu.memref_squeeze %dma_wait3A_39 : memref<1x128xi32, #tpu.memory_space<vmem>> -> memref<128xi32, #tpu.memory_space<vmem>>
        %dma_wait3A_41 = arith.constant 0 : i32
        %dma_wait3A_42 = tpu.memref_slice %arg7[%dma_wait3A_41] : memref<1003520xf32, #tpu.memory_space<vmem_shared>> -> memref<1003520xf32, #tpu.memory_space<vmem_shared>>
        tpu.wait_indirect_dma semaphore(%run_scoped3A_28 : memref<!tpu.dma_semaphore, #tpu.memory_space<semaphore_mem>>) src(%dma_wait3A_37 : memref<128xf32, #tpu.memory_space<vmem>>) dst(%dma_wait3A_42 : memref<1003520xf32, #tpu.memory_space<vmem_shared>>)
        tpu.yield
      }) : () -> ()
      %run_scoped3A_18 = arith.constant 3 : i32
      %run_scoped3A_19 = arith.constant 3 : i32
      "tpu.region"() ({
        %run_scoped3A_28 = tpu.sem_alloc : memref<!tpu.dma_semaphore, #tpu.memory_space<semaphore_mem>>
        %dma_start3A = arith.constant 0 : i32
        %dma_start3A_29 = tpu.memref_slice %arg6[%run_scoped3A_18, %dma_start3A] : memref<8x128xf32, #tpu.memory_space<vmem>> -> memref<1x128xf32, #tpu.memory_space<vmem>>
        %dma_start3A_30 = tpu.memref_squeeze %dma_start3A_29 : memref<1x128xf32, #tpu.memory_space<vmem>> -> memref<128xf32, #tpu.memory_space<vmem>>
        %dma_start3A_31 = arith.constant 0 : i32
        %dma_start3A_32 = tpu.memref_slice %arg5[%run_scoped3A_19, %dma_start3A_31] : memref<8x128xi32, #tpu.memory_space<vmem>> -> memref<1x128xi32, #tpu.memory_space<vmem>>
        %dma_start3A_33 = tpu.memref_squeeze %dma_start3A_32 : memref<1x128xi32, #tpu.memory_space<vmem>> -> memref<128xi32, #tpu.memory_space<vmem>>
        %dma_start3A_34 = arith.constant 0 : i32
        %dma_start3A_35 = tpu.memref_slice %arg7[%dma_start3A_34] : memref<1003520xf32, #tpu.memory_space<vmem_shared>> -> memref<1003520xf32, #tpu.memory_space<vmem_shared>>
        tpu.enqueue_indirect_dma source(%dma_start3A_30 : memref<128xf32, #tpu.memory_space<vmem>>) target(%dma_start3A_35 : memref<1003520xf32, #tpu.memory_space<vmem_shared>>) offsets(%dma_start3A_33 : memref<128xi32, #tpu.memory_space<vmem>>) semaphore(%run_scoped3A_28 : memref<!tpu.dma_semaphore, #tpu.memory_space<semaphore_mem>>) {add = true}
        %dma_wait3A = arith.constant 0 : i32
        %dma_wait3A_36 = tpu.memref_slice %arg6[%run_scoped3A_18, %dma_wait3A] : memref<8x128xf32, #tpu.memory_space<vmem>> -> memref<1x128xf32, #tpu.memory_space<vmem>>
        %dma_wait3A_37 = tpu.memref_squeeze %dma_wait3A_36 : memref<1x128xf32, #tpu.memory_space<vmem>> -> memref<128xf32, #tpu.memory_space<vmem>>
        %dma_wait3A_38 = arith.constant 0 : i32
        %dma_wait3A_39 = tpu.memref_slice %arg5[%run_scoped3A_19, %dma_wait3A_38] : memref<8x128xi32, #tpu.memory_space<vmem>> -> memref<1x128xi32, #tpu.memory_space<vmem>>
        %dma_wait3A_40 = tpu.memref_squeeze %dma_wait3A_39 : memref<1x128xi32, #tpu.memory_space<vmem>> -> memref<128xi32, #tpu.memory_space<vmem>>
        %dma_wait3A_41 = arith.constant 0 : i32
        %dma_wait3A_42 = tpu.memref_slice %arg7[%dma_wait3A_41] : memref<1003520xf32, #tpu.memory_space<vmem_shared>> -> memref<1003520xf32, #tpu.memory_space<vmem_shared>>
        tpu.wait_indirect_dma semaphore(%run_scoped3A_28 : memref<!tpu.dma_semaphore, #tpu.memory_space<semaphore_mem>>) src(%dma_wait3A_37 : memref<128xf32, #tpu.memory_space<vmem>>) dst(%dma_wait3A_42 : memref<1003520xf32, #tpu.memory_space<vmem_shared>>)
        tpu.yield
      }) : () -> ()
      %run_scoped3A_20 = arith.constant 4 : i32
      %run_scoped3A_21 = arith.constant 4 : i32
      "tpu.region"() ({
        %run_scoped3A_28 = tpu.sem_alloc : memref<!tpu.dma_semaphore, #tpu.memory_space<semaphore_mem>>
        %dma_start3A = arith.constant 0 : i32
        %dma_start3A_29 = tpu.memref_slice %arg6[%run_scoped3A_20, %dma_start3A] : memref<8x128xf32, #tpu.memory_space<vmem>> -> memref<1x128xf32, #tpu.memory_space<vmem>>
        %dma_start3A_30 = tpu.memref_squeeze %dma_start3A_29 : memref<1x128xf32, #tpu.memory_space<vmem>> -> memref<128xf32, #tpu.memory_space<vmem>>
        %dma_start3A_31 = arith.constant 0 : i32
        %dma_start3A_32 = tpu.memref_slice %arg5[%run_scoped3A_21, %dma_start3A_31] : memref<8x128xi32, #tpu.memory_space<vmem>> -> memref<1x128xi32, #tpu.memory_space<vmem>>
        %dma_start3A_33 = tpu.memref_squeeze %dma_start3A_32 : memref<1x128xi32, #tpu.memory_space<vmem>> -> memref<128xi32, #tpu.memory_space<vmem>>
        %dma_start3A_34 = arith.constant 0 : i32
        %dma_start3A_35 = tpu.memref_slice %arg7[%dma_start3A_34] : memref<1003520xf32, #tpu.memory_space<vmem_shared>> -> memref<1003520xf32, #tpu.memory_space<vmem_shared>>
        tpu.enqueue_indirect_dma source(%dma_start3A_30 : memref<128xf32, #tpu.memory_space<vmem>>) target(%dma_start3A_35 : memref<1003520xf32, #tpu.memory_space<vmem_shared>>) offsets(%dma_start3A_33 : memref<128xi32, #tpu.memory_space<vmem>>) semaphore(%run_scoped3A_28 : memref<!tpu.dma_semaphore, #tpu.memory_space<semaphore_mem>>) {add = true}
        %dma_wait3A = arith.constant 0 : i32
        %dma_wait3A_36 = tpu.memref_slice %arg6[%run_scoped3A_20, %dma_wait3A] : memref<8x128xf32, #tpu.memory_space<vmem>> -> memref<1x128xf32, #tpu.memory_space<vmem>>
        %dma_wait3A_37 = tpu.memref_squeeze %dma_wait3A_36 : memref<1x128xf32, #tpu.memory_space<vmem>> -> memref<128xf32, #tpu.memory_space<vmem>>
        %dma_wait3A_38 = arith.constant 0 : i32
        %dma_wait3A_39 = tpu.memref_slice %arg5[%run_scoped3A_21, %dma_wait3A_38] : memref<8x128xi32, #tpu.memory_space<vmem>> -> memref<1x128xi32, #tpu.memory_space<vmem>>
        %dma_wait3A_40 = tpu.memref_squeeze %dma_wait3A_39 : memref<1x128xi32, #tpu.memory_space<vmem>> -> memref<128xi32, #tpu.memory_space<vmem>>
        %dma_wait3A_41 = arith.constant 0 : i32
        %dma_wait3A_42 = tpu.memref_slice %arg7[%dma_wait3A_41] : memref<1003520xf32, #tpu.memory_space<vmem_shared>> -> memref<1003520xf32, #tpu.memory_space<vmem_shared>>
        tpu.wait_indirect_dma semaphore(%run_scoped3A_28 : memref<!tpu.dma_semaphore, #tpu.memory_space<semaphore_mem>>) src(%dma_wait3A_37 : memref<128xf32, #tpu.memory_space<vmem>>) dst(%dma_wait3A_42 : memref<1003520xf32, #tpu.memory_space<vmem_shared>>)
        tpu.yield
      }) : () -> ()
      %run_scoped3A_22 = arith.constant 5 : i32
      %run_scoped3A_23 = arith.constant 5 : i32
      "tpu.region"() ({
        %run_scoped3A_28 = tpu.sem_alloc : memref<!tpu.dma_semaphore, #tpu.memory_space<semaphore_mem>>
        %dma_start3A = arith.constant 0 : i32
        %dma_start3A_29 = tpu.memref_slice %arg6[%run_scoped3A_22, %dma_start3A] : memref<8x128xf32, #tpu.memory_space<vmem>> -> memref<1x128xf32, #tpu.memory_space<vmem>>
        %dma_start3A_30 = tpu.memref_squeeze %dma_start3A_29 : memref<1x128xf32, #tpu.memory_space<vmem>> -> memref<128xf32, #tpu.memory_space<vmem>>
        %dma_start3A_31 = arith.constant 0 : i32
        %dma_start3A_32 = tpu.memref_slice %arg5[%run_scoped3A_23, %dma_start3A_31] : memref<8x128xi32, #tpu.memory_space<vmem>> -> memref<1x128xi32, #tpu.memory_space<vmem>>
        %dma_start3A_33 = tpu.memref_squeeze %dma_start3A_32 : memref<1x128xi32, #tpu.memory_space<vmem>> -> memref<128xi32, #tpu.memory_space<vmem>>
        %dma_start3A_34 = arith.constant 0 : i32
        %dma_start3A_35 = tpu.memref_slice %arg7[%dma_start3A_34] : memref<1003520xf32, #tpu.memory_space<vmem_shared>> -> memref<1003520xf32, #tpu.memory_space<vmem_shared>>
        tpu.enqueue_indirect_dma source(%dma_start3A_30 : memref<128xf32, #tpu.memory_space<vmem>>) target(%dma_start3A_35 : memref<1003520xf32, #tpu.memory_space<vmem_shared>>) offsets(%dma_start3A_33 : memref<128xi32, #tpu.memory_space<vmem>>) semaphore(%run_scoped3A_28 : memref<!tpu.dma_semaphore, #tpu.memory_space<semaphore_mem>>) {add = true}
        %dma_wait3A = arith.constant 0 : i32
        %dma_wait3A_36 = tpu.memref_slice %arg6[%run_scoped3A_22, %dma_wait3A] : memref<8x128xf32, #tpu.memory_space<vmem>> -> memref<1x128xf32, #tpu.memory_space<vmem>>
        %dma_wait3A_37 = tpu.memref_squeeze %dma_wait3A_36 : memref<1x128xf32, #tpu.memory_space<vmem>> -> memref<128xf32, #tpu.memory_space<vmem>>
        %dma_wait3A_38 = arith.constant 0 : i32
        %dma_wait3A_39 = tpu.memref_slice %arg5[%run_scoped3A_23, %dma_wait3A_38] : memref<8x128xi32, #tpu.memory_space<vmem>> -> memref<1x128xi32, #tpu.memory_space<vmem>>
        %dma_wait3A_40 = tpu.memref_squeeze %dma_wait3A_39 : memref<1x128xi32, #tpu.memory_space<vmem>> -> memref<128xi32, #tpu.memory_space<vmem>>
        %dma_wait3A_41 = arith.constant 0 : i32
        %dma_wait3A_42 = tpu.memref_slice %arg7[%dma_wait3A_41] : memref<1003520xf32, #tpu.memory_space<vmem_shared>> -> memref<1003520xf32, #tpu.memory_space<vmem_shared>>
        tpu.wait_indirect_dma semaphore(%run_scoped3A_28 : memref<!tpu.dma_semaphore, #tpu.memory_space<semaphore_mem>>) src(%dma_wait3A_37 : memref<128xf32, #tpu.memory_space<vmem>>) dst(%dma_wait3A_42 : memref<1003520xf32, #tpu.memory_space<vmem_shared>>)
        tpu.yield
      }) : () -> ()
      %run_scoped3A_24 = arith.constant 6 : i32
      %run_scoped3A_25 = arith.constant 6 : i32
      "tpu.region"() ({
        %run_scoped3A_28 = tpu.sem_alloc : memref<!tpu.dma_semaphore, #tpu.memory_space<semaphore_mem>>
        %dma_start3A = arith.constant 0 : i32
        %dma_start3A_29 = tpu.memref_slice %arg6[%run_scoped3A_24, %dma_start3A] : memref<8x128xf32, #tpu.memory_space<vmem>> -> memref<1x128xf32, #tpu.memory_space<vmem>>
        %dma_start3A_30 = tpu.memref_squeeze %dma_start3A_29 : memref<1x128xf32, #tpu.memory_space<vmem>> -> memref<128xf32, #tpu.memory_space<vmem>>
        %dma_start3A_31 = arith.constant 0 : i32
        %dma_start3A_32 = tpu.memref_slice %arg5[%run_scoped3A_25, %dma_start3A_31] : memref<8x128xi32, #tpu.memory_space<vmem>> -> memref<1x128xi32, #tpu.memory_space<vmem>>
        %dma_start3A_33 = tpu.memref_squeeze %dma_start3A_32 : memref<1x128xi32, #tpu.memory_space<vmem>> -> memref<128xi32, #tpu.memory_space<vmem>>
        %dma_start3A_34 = arith.constant 0 : i32
        %dma_start3A_35 = tpu.memref_slice %arg7[%dma_start3A_34] : memref<1003520xf32, #tpu.memory_space<vmem_shared>> -> memref<1003520xf32, #tpu.memory_space<vmem_shared>>
        tpu.enqueue_indirect_dma source(%dma_start3A_30 : memref<128xf32, #tpu.memory_space<vmem>>) target(%dma_start3A_35 : memref<1003520xf32, #tpu.memory_space<vmem_shared>>) offsets(%dma_start3A_33 : memref<128xi32, #tpu.memory_space<vmem>>) semaphore(%run_scoped3A_28 : memref<!tpu.dma_semaphore, #tpu.memory_space<semaphore_mem>>) {add = true}
        %dma_wait3A = arith.constant 0 : i32
        %dma_wait3A_36 = tpu.memref_slice %arg6[%run_scoped3A_24, %dma_wait3A] : memref<8x128xf32, #tpu.memory_space<vmem>> -> memref<1x128xf32, #tpu.memory_space<vmem>>
        %dma_wait3A_37 = tpu.memref_squeeze %dma_wait3A_36 : memref<1x128xf32, #tpu.memory_space<vmem>> -> memref<128xf32, #tpu.memory_space<vmem>>
        %dma_wait3A_38 = arith.constant 0 : i32
        %dma_wait3A_39 = tpu.memref_slice %arg5[%run_scoped3A_25, %dma_wait3A_38] : memref<8x128xi32, #tpu.memory_space<vmem>> -> memref<1x128xi32, #tpu.memory_space<vmem>>
        %dma_wait3A_40 = tpu.memref_squeeze %dma_wait3A_39 : memref<1x128xi32, #tpu.memory_space<vmem>> -> memref<128xi32, #tpu.memory_space<vmem>>
        %dma_wait3A_41 = arith.constant 0 : i32
        %dma_wait3A_42 = tpu.memref_slice %arg7[%dma_wait3A_41] : memref<1003520xf32, #tpu.memory_space<vmem_shared>> -> memref<1003520xf32, #tpu.memory_space<vmem_shared>>
        tpu.wait_indirect_dma semaphore(%run_scoped3A_28 : memref<!tpu.dma_semaphore, #tpu.memory_space<semaphore_mem>>) src(%dma_wait3A_37 : memref<128xf32, #tpu.memory_space<vmem>>) dst(%dma_wait3A_42 : memref<1003520xf32, #tpu.memory_space<vmem_shared>>)
        tpu.yield
      }) : () -> ()
      %run_scoped3A_26 = arith.constant 7 : i32
      %run_scoped3A_27 = arith.constant 7 : i32
      "tpu.region"() ({
        %run_scoped3A_28 = tpu.sem_alloc : memref<!tpu.dma_semaphore, #tpu.memory_space<semaphore_mem>>
        %dma_start3A = arith.constant 0 : i32
        %dma_start3A_29 = tpu.memref_slice %arg6[%run_scoped3A_26, %dma_start3A] : memref<8x128xf32, #tpu.memory_space<vmem>> -> memref<1x128xf32, #tpu.memory_space<vmem>>
        %dma_start3A_30 = tpu.memref_squeeze %dma_start3A_29 : memref<1x128xf32, #tpu.memory_space<vmem>> -> memref<128xf32, #tpu.memory_space<vmem>>
        %dma_start3A_31 = arith.constant 0 : i32
        %dma_start3A_32 = tpu.memref_slice %arg5[%run_scoped3A_27, %dma_start3A_31] : memref<8x128xi32, #tpu.memory_space<vmem>> -> memref<1x128xi32, #tpu.memory_space<vmem>>
        %dma_start3A_33 = tpu.memref_squeeze %dma_start3A_32 : memref<1x128xi32, #tpu.memory_space<vmem>> -> memref<128xi32, #tpu.memory_space<vmem>>
        %dma_start3A_34 = arith.constant 0 : i32
        %dma_start3A_35 = tpu.memref_slice %arg7[%dma_start3A_34] : memref<1003520xf32, #tpu.memory_space<vmem_shared>> -> memref<1003520xf32, #tpu.memory_space<vmem_shared>>
        tpu.enqueue_indirect_dma source(%dma_start3A_30 : memref<128xf32, #tpu.memory_space<vmem>>) target(%dma_start3A_35 : memref<1003520xf32, #tpu.memory_space<vmem_shared>>) offsets(%dma_start3A_33 : memref<128xi32, #tpu.memory_space<vmem>>) semaphore(%run_scoped3A_28 : memref<!tpu.dma_semaphore, #tpu.memory_space<semaphore_mem>>) {add = true}
        %dma_wait3A = arith.constant 0 : i32
        %dma_wait3A_36 = tpu.memref_slice %arg6[%run_scoped3A_26, %dma_wait3A] : memref<8x128xf32, #tpu.memory_space<vmem>> -> memref<1x128xf32, #tpu.memory_space<vmem>>
        %dma_wait3A_37 = tpu.memref_squeeze %dma_wait3A_36 : memref<1x128xf32, #tpu.memory_space<vmem>> -> memref<128xf32, #tpu.memory_space<vmem>>
        %dma_wait3A_38 = arith.constant 0 : i32
        %dma_wait3A_39 = tpu.memref_slice %arg5[%run_scoped3A_27, %dma_wait3A_38] : memref<8x128xi32, #tpu.memory_space<vmem>> -> memref<1x128xi32, #tpu.memory_space<vmem>>
        %dma_wait3A_40 = tpu.memref_squeeze %dma_wait3A_39 : memref<1x128xi32, #tpu.memory_space<vmem>> -> memref<128xi32, #tpu.memory_space<vmem>>
        %dma_wait3A_41 = arith.constant 0 : i32
        %dma_wait3A_42 = tpu.memref_slice %arg7[%dma_wait3A_41] : memref<1003520xf32, #tpu.memory_space<vmem_shared>> -> memref<1003520xf32, #tpu.memory_space<vmem_shared>>
        tpu.wait_indirect_dma semaphore(%run_scoped3A_28 : memref<!tpu.dma_semaphore, #tpu.memory_space<semaphore_mem>>) src(%dma_wait3A_37 : memref<128xf32, #tpu.memory_space<vmem>>) dst(%dma_wait3A_42 : memref<1003520xf32, #tpu.memory_space<vmem_shared>>)
        tpu.yield
      }) : () -> ()
    } else {
    }
    %barrier3A_7 = arith.constant 0 : index
    tpu.barrier barrier_id(%barrier3A_7)
    %eq3A_8 = arith.constant 0 : i32
    %eq3A_9 = arith.cmpi eq, %arg0, %eq3A_8 : i32
    %convert_element_type3A_10 = arith.extui %eq3A_9 : i1 to i32
    %cond3A_11 = arith.constant 0 : i32
    %cond3A_12 = arith.cmpi ne, %convert_element_type3A_10, %cond3A_11 : i32
    scf.if %cond3A_12 {
      %mul3A = arith.constant 62720 : i32
      %mul3A_13 = arith.muli %arg1, %mul3A : i32
      %mul3A_14 = arith.constant 62720 : i32
      %mul3A_15 = arith.muli %arg1, %mul3A_14 : i32
      %run_scoped3A = arith.constant 0 : i32
      "tpu.region"() ({
        %run_scoped3A_16 = tpu.sem_alloc : memref<!tpu.dma_semaphore, #tpu.memory_space<semaphore_mem>>
        %dma_start3A = tpu.memref_slice %arg4[%run_scoped3A, %mul3A_15] : memref<1x1003520xf32, #tpu.memory_space<hbm>> -> memref<1x62720xf32, #tpu.memory_space<hbm>>
        %dma_start3A_17 = tpu.memref_squeeze %dma_start3A : memref<1x62720xf32, #tpu.memory_space<hbm>> -> memref<62720xf32, #tpu.memory_space<hbm>>
        %dma_start3A_18 = tpu.memref_slice %arg7[%mul3A_13] : memref<1003520xf32, #tpu.memory_space<vmem_shared>> -> memref<62720xf32, #tpu.memory_space<vmem_shared>>
        tpu.enqueue_dma source(%dma_start3A_18 : memref<62720xf32, #tpu.memory_space<vmem_shared>>) target(%dma_start3A_17 : memref<62720xf32, #tpu.memory_space<hbm>>) target_semaphore(%run_scoped3A_16 : memref<!tpu.dma_semaphore, #tpu.memory_space<semaphore_mem>>)
        %dma_wait3A = tpu.memref_slice %arg4[%run_scoped3A, %mul3A_15] : memref<1x1003520xf32, #tpu.memory_space<hbm>> -> memref<1x62720xf32, #tpu.memory_space<hbm>>
        %dma_wait3A_19 = tpu.memref_squeeze %dma_wait3A : memref<1x62720xf32, #tpu.memory_space<hbm>> -> memref<62720xf32, #tpu.memory_space<hbm>>
        %dma_wait3A_20 = tpu.memref_slice %arg7[%mul3A_13] : memref<1003520xf32, #tpu.memory_space<vmem_shared>> -> memref<62720xf32, #tpu.memory_space<vmem_shared>>
        tpu.wait_dma2 semaphore(%run_scoped3A_16 : memref<!tpu.dma_semaphore, #tpu.memory_space<semaphore_mem>>) src(%dma_wait3A_20 : memref<62720xf32, #tpu.memory_space<vmem_shared>>) dst(%dma_wait3A_19 : memref<62720xf32, #tpu.memory_space<hbm>>)
        tpu.yield
      }) : () -> ()
    } else {
    }
    return
  }
}

module attributes {stable_mosaic.version = 14 : i64} {
  func.func @_matvec_body(%arg0: i32, %arg1: memref<64x50176xf32, #tpu.memory_space<vmem>>, %arg2: memref<1x50176xf32, #tpu.memory_space<vmem>>, %arg3: memref<128x64xf32, #tpu.memory_space<vmem>>, %arg4: memref<1x128xf32, #tpu.memory_space<vmem>>, %arg5: memref<1x128xf32, #tpu.memory_space<vmem>>, %arg6: memref<1x1xf32, #tpu.memory_space<vmem>>, %arg7: memref<1x1xf32, #tpu.memory_space<vmem>>, %arg8: memref<1x64xf32, #tpu.memory_space<vmem>>) attributes {dimension_semantics = [#tpu.dimension_semantics<arbitrary>], iteration_bounds = array<i64: 20>, scalar_prefetch = 0 : i64, scratch_operands = 1 : i64, tpu.core_type = #tpu.core_type<tc>, window_params = [{transform_indices = @transform_0, window_bounds = array<i64: 64, 50176>}, {transform_indices = @transform_1, window_bounds = array<i64: 1, 50176>}, {pipeline_mode = #tpu.pipeline_mode<synchronous>, transform_indices = @transform_2, window_bounds = array<i64: 128, 64>}, {pipeline_mode = #tpu.pipeline_mode<synchronous>, transform_indices = @transform_3, window_bounds = array<i64: 1, 128>}, {pipeline_mode = #tpu.pipeline_mode<synchronous>, transform_indices = @transform_4, window_bounds = array<i64: 1, 128>}, {pipeline_mode = #tpu.pipeline_mode<synchronous>, transform_indices = @transform_5, window_bounds = array<i64: 1, 1>}, {pipeline_mode = #tpu.pipeline_mode<synchronous>, transform_indices = @transform_6, window_bounds = array<i64: 1, 1>}]} {
    %eq3A = arith.constant 0 : i32
    %eq3A_0 = arith.cmpi eq, %arg0, %eq3A : i32
    %convert_element_type3A = arith.extui %eq3A_0 : i1 to i32
    %cond3A = arith.constant 0 : i32
    %cond3A_1 = arith.cmpi ne, %convert_element_type3A, %cond3A : i32
    scf.if %cond3A_1 {
      %broadcast_in_dim3A = arith.constant 0.000000e+00 : f32
      %broadcast_in_dim3A_13 = vector.broadcast %broadcast_in_dim3A : f32 to vector<1x64xf32>
      %swap3A = arith.constant 0 : index
      %swap3A_14 = arith.constant 0 : index
      %swap3A_15 = vector.load %arg8[%swap3A, %swap3A_14] : memref<1x64xf32, #tpu.memory_space<vmem>>, vector<1x64xf32>
      tpu.vector_store %arg8[%swap3A, %swap3A_14], %broadcast_in_dim3A_13 {strides = array<i32>} : memref<1x64xf32, #tpu.memory_space<vmem>>, vector<1x64xf32>,
    } else {
    }
    %get3A = arith.constant 0 : index
    %get3A_2 = arith.constant 0 : index
    %get3A_3 = vector.load %arg2[%get3A, %get3A_2] : memref<1x50176xf32, #tpu.memory_space<vmem>>, vector<1x50176xf32>
    %lt3A = arith.constant 19 : i32
    %lt3A_4 = arith.cmpi slt, %arg0, %lt3A : i32
    %convert_element_type3A_5 = arith.extui %lt3A_4 : i1 to i32
    %cond3A_6 = arith.constant 0 : i32
    %cond3A_7 = arith.cmpi ne, %convert_element_type3A_5, %cond3A_6 : i32
    scf.if %cond3A_7 {
      %get3A_13 = arith.constant 0 : index
      %get3A_14 = arith.constant 0 : index
      %get3A_15 = vector.load %arg8[%get3A_13, %get3A_14] : memref<1x64xf32, #tpu.memory_space<vmem>>, vector<1x64xf32>
      %get3A_16 = arith.constant 0 : index
      %get3A_17 = arith.constant 0 : index
      %get3A_18 = vector.load %arg1[%get3A_16, %get3A_17] : memref<64x50176xf32, #tpu.memory_space<vmem>>, vector<64x50176xf32>
      %dot_general3A = arith.constant dense<0.000000e+00> : vector<1x64xf32>
      %dot_general3A_19 = tpu.matmul %get3A_3, %get3A_18, %dot_general3A {dimension_numbers = #tpu.dot_dimension_numbers<[1], [1], [0], [0], [0, 0, 1, 0], [], []>, transpose_lhs_hint = false} : vector<1x50176xf32>, vector<64x50176xf32>, vector<1x64xf32> -> vector<1x64xf32>
      %add3A = arith.addf %get3A_15, %dot_general3A_19 : vector<1x64xf32>
      %swap3A = arith.constant 0 : index
      %swap3A_20 = arith.constant 0 : index
      %swap3A_21 = vector.load %arg8[%swap3A, %swap3A_20] : memref<1x64xf32, #tpu.memory_space<vmem>>, vector<1x64xf32>
      tpu.vector_store %arg8[%swap3A, %swap3A_20], %add3A {strides = array<i32>} : memref<1x64xf32, #tpu.memory_space<vmem>>, vector<1x64xf32>,
    } else {
    }
    %eq3A_8 = arith.constant 19 : i32
    %eq3A_9 = arith.cmpi eq, %arg0, %eq3A_8 : i32
    %convert_element_type3A_10 = arith.extui %eq3A_9 : i1 to i32
    %cond3A_11 = arith.constant 0 : i32
    %cond3A_12 = arith.cmpi ne, %convert_element_type3A_10, %cond3A_11 : i32
    scf.if %cond3A_12 {
      %iota3A = tpu.iota {dimensions = array<i32: 1>} : vector<1x50176xi32>
      %mul3A = arith.constant 50176 : i32
      %mul3A_13 = arith.muli %arg0, %mul3A : i32
      %add3A = vector.broadcast %mul3A_13 : i32 to vector<1x50176xi32>
      %add3A_14 = arith.addi %iota3A, %add3A : vector<1x50176xi32>
      %lt3A_15 = arith.constant 1000000 : i32
      %lt3A_16 = vector.broadcast %lt3A_15 : i32 to vector<1x50176xi32>
      %lt3A_17 = arith.cmpi slt, %add3A_14, %lt3A_16 : vector<1x50176xi32>
      %get3A_18 = arith.constant 0 : index
      %get3A_19 = arith.constant 0 : index
      %get3A_20 = vector.load %arg1[%get3A_18, %get3A_19] : memref<64x50176xf32, #tpu.memory_space<vmem>>, vector<64x50176xf32>
      %jit3A = arith.constant 0.000000e+00 : f32
      %broadcast_in_dim3A = vector.shape_cast %lt3A_17 : vector<1x50176xi1> to vector<1x50176xi1>
      %broadcast_in_dim3A_21 = vector.broadcast %broadcast_in_dim3A : vector<1x50176xi1> to vector<64x50176xi1>
      %broadcast_in_dim3A_22 = vector.broadcast %jit3A : f32 to vector<64x50176xf32>
      %select_n3A = arith.select %broadcast_in_dim3A_21, %get3A_20, %broadcast_in_dim3A_22 : vector<64x50176xi1>, vector<64x50176xf32>
      %get3A_23 = arith.constant 0 : index
      %get3A_24 = arith.constant 0 : index
      %get3A_25 = vector.load %arg8[%get3A_23, %get3A_24] : memref<1x64xf32, #tpu.memory_space<vmem>>, vector<1x64xf32>
      %dot_general3A = arith.constant dense<0.000000e+00> : vector<1x64xf32>
      %dot_general3A_26 = tpu.matmul %get3A_3, %select_n3A, %dot_general3A {dimension_numbers = #tpu.dot_dimension_numbers<[1], [1], [0], [0], [0, 0, 1, 0], [], []>, transpose_lhs_hint = false} : vector<1x50176xf32>, vector<64x50176xf32>, vector<1x64xf32> -> vector<1x64xf32>
      %add3A_27 = arith.addf %get3A_25, %dot_general3A_26 : vector<1x64xf32>
      %mul3A_28 = arith.constant 6.10351563E-5 : f32
      %mul3A_29 = vector.broadcast %mul3A_28 : f32 to vector<1x64xf32>
      %mul3A_30 = arith.mulf %add3A_27, %mul3A_29 : vector<1x64xf32>
      %get3A_31 = arith.constant 0 : index
      %get3A_32 = arith.constant 0 : index
      %get3A_33 = vector.load %arg3[%get3A_31, %get3A_32] : memref<128x64xf32, #tpu.memory_space<vmem>>, vector<128x64xf32>
      %dot_general3A_34 = arith.constant dense<0.000000e+00> : vector<1x128xf32>
      %dot_general3A_35 = tpu.matmul %mul3A_30, %get3A_33, %dot_general3A_34 {dimension_numbers = #tpu.dot_dimension_numbers<[1], [1], [0], [0], [0, 0, 1, 0], [], []>, transpose_lhs_hint = false} : vector<1x64xf32>, vector<128x64xf32>, vector<1x128xf32> -> vector<1x128xf32>
      %get3A_36 = arith.constant 0 : index
      %get3A_37 = arith.constant 0 : index
      %get3A_38 = vector.load %arg4[%get3A_36, %get3A_37] : memref<1x128xf32, #tpu.memory_space<vmem>>, vector<1x128xf32>
      %add3A_39 = arith.addf %dot_general3A_35, %get3A_38 : vector<1x128xf32>
      %max3A = arith.constant 0.000000e+00 : f32
      %max3A_40 = vector.broadcast %max3A : f32 to vector<1x128xf32>
      %max3A_41 = arith.maximumf %add3A_39, %max3A_40 : vector<1x128xf32>
      %get3A_42 = arith.constant 0 : index
      %get3A_43 = arith.constant 0 : index
      %get3A_44 = vector.load %arg5[%get3A_42, %get3A_43] : memref<1x128xf32, #tpu.memory_space<vmem>>, vector<1x128xf32>
      %mul3A_45 = arith.mulf %max3A_41, %get3A_44 : vector<1x128xf32>
      %reduce_sum3A = arith.constant dense<0.000000e+00> : vector<1xf32>
      %reduce_sum3A_46 = vector.multi_reduction <add>, %mul3A_45, %reduce_sum3A [1] : vector<1x128xf32> to vector<1xf32>
      %broadcast_in_dim3A_47 = vector.shape_cast %reduce_sum3A_46 : vector<1xf32> to vector<1x1xf32>
      %get3A_48 = arith.constant 0 : index
      %get3A_49 = arith.constant 0 : index
      %get3A_50 = vector.load %arg6[%get3A_48, %get3A_49] : memref<1x1xf32, #tpu.memory_space<vmem>>, vector<1x1xf32>
      %add3A_51 = arith.addf %broadcast_in_dim3A_47, %get3A_50 : vector<1x1xf32>
      %swap3A = arith.constant 0 : index
      %swap3A_52 = arith.constant 0 : index
      %swap3A_53 = vector.load %arg7[%swap3A, %swap3A_52] : memref<1x1xf32, #tpu.memory_space<vmem>>, vector<1x1xf32>
      tpu.vector_store %arg7[%swap3A, %swap3A_52], %add3A_51 {strides = array<i32>} : memref<1x1xf32, #tpu.memory_space<vmem>>, vector<1x1xf32>,
    } else {
    }
    return
  }
  func.func @transform_0(%arg0: i32) -> (i32, i32) {
    %c0_i32 = arith.constant 0 : i32
    %c0_i32_0 = arith.constant 0 : i32
    return %c0_i32, %arg0 : i32, i32
  }
  func.func @transform_1(%arg0: i32) -> (i32, i32) {
    %c0_i32 = arith.constant 0 : i32
    %c0_i32_0 = arith.constant 0 : i32
    return %c0_i32, %arg0 : i32, i32
  }
  func.func @transform_2(%arg0: i32) -> (i32, i32) {
    %c0_i32 = arith.constant 0 : i32
    %c0_i32_0 = arith.constant 0 : i32
    %c0_i32_1 = arith.constant 0 : i32
    return %c0_i32, %c0_i32_0 : i32, i32
  }
  func.func @transform_3(%arg0: i32) -> (i32, i32) {
    %c0_i32 = arith.constant 0 : i32
    %c0_i32_0 = arith.constant 0 : i32
    %c0_i32_1 = arith.constant 0 : i32
    return %c0_i32, %c0_i32_0 : i32, i32
  }
  func.func @transform_4(%arg0: i32) -> (i32, i32) {
    %c0_i32 = arith.constant 0 : i32
    %c0_i32_0 = arith.constant 0 : i32
    %c0_i32_1 = arith.constant 0 : i32
    return %c0_i32, %c0_i32_0 : i32, i32
  }
  func.func @transform_5(%arg0: i32) -> (i32, i32) {
    %c0_i32 = arith.constant 0 : i32
    %c0_i32_0 = arith.constant 0 : i32
    %c0_i32_1 = arith.constant 0 : i32
    return %c0_i32, %c0_i32_0 : i32, i32
  }
  func.func @transform_6(%arg0: i32) -> (i32, i32) {
    %c0_i32 = arith.constant 0 : i32
    %c0_i32_0 = arith.constant 0 : i32
    %c0_i32_1 = arith.constant 0 : i32
    return %c0_i32, %c0_i32_0 : i32, i32
  }
}

</mosaic_0001>

<sc_bundles>
// kernel: kernel.4.cloned.1.call-start
scs
__scs_entry_jumppad:
0x0: {  	(pc) =	sbr.rel $0x88, $3  }
0x1: {  	(tag) =	ssettag $0x0;
	lr =	simm.s32 $0x1  }
0x2: {  	[smem:$0x3F9B] =	sst lr;
	_ =	strace $0xD0000000  }
0x3: {  	_ = 	snop  }
0x4: {  	_ = 	snop  }
0x5: {  	_ = 	snop  }
0x6: {  	_ = 	snop  }
0x7: {  	_ = 	snop  }
__scs_overlays_trampoline_lowered:
0x8: {  	[smem:$0x3FAA] =	sst s0  }
0x9: {  	[smem:$0x3FAB] =	sst s1  }
0xa: {  	[smem:$0x3FAC] =	sst s2  }
0xb: {  	[smem:$0x3FAD] =	sst s3  }
0xc: {  	[smem:$0x3FAE] =	sst s4  }
0xd: {  	[smem:$0x3FAF] =	sst s5  }
0xe: {  	[smem:$0x3FB0] =	sst s6  }
0xf: {  	[smem:$0x3FB1] =	sst s7  }
0x10: {  	[smem:$0x3FB2] =	sst s8  }
0x11: {  	[smem:$0x3FB3] =	sst s9;
	s0 =	simm.s32 @!p0 $0x0  }
0x12: {  	s1 =	sld [smem:$0x3F99];
	s0 =	simm.s32 @p0 $0x1  }
0x13: {  	[smem:$0x3FB4] =	sst s0;
	s0 =	simm.s32 @!p1 $0x0  }
0x14: {  	s2 =	sld [smem:$0x3F98];
	s0 =	simm.s32 @p1 $0x1  }
0x15: {  	[smem:$0x3FB5] =	sst s0;
	s0 =	simm.s32 @!p2 $0x0  }
0x16: {  	s3 =	sld [smem:$0x3FDB];
	s0 =	simm.s32 @p2 $0x1  }
0x17: {  	s4 =	simm.s32 $0x1BF5;
	[smem:$0x3FB7] =	sst s0  }
0x18: {  	s0 =	sld [smem:$0x3F9A];
	_ =	swait.ge [sflag:s4], $0x0  }
0x19: {  	s7 =	sld [smem:$0x3F9B]  }
0x1a: {  	s8 =	sadd.s32 $0xFFFFE003, lr  }
0x1b: {  	s9 =	sadd.s32 $0xFFFFFEF7, lr;
	s5 =	simm.s32 $0xFFFFFFFF;
	p2 =	slt.u32 s8, $0xFFFFF086  }
0x1c: {  	p1 =	slt.u32 s9, $0xF7A;
	s5 =	simm.s32 @!p2 $0x0  }
0x1d: {  	s5 =	simm.s32 @p1 $0x1;
	p0 =	seq.s32 s7, s2  }
0x1e: {  	s7 =	smul.u32 @!p0 $0xF7A, s2;
	p2 =	seq.s32 @!p0 s5, $0x0  }
0x1f: {  	s9 =	smul.u32 $0xF7A, s1;
	s8 =	simm.s32 @!p0 $0x1BF5;
	p2 =	por !p2, p0  }
0x20: {  	[sflag:s8] =	ssyncset.s32 @!p0 $0xFFFFF086;
	s6 =	sadd.s32 @!p0 s3, s7;
	s7 =	simm.s32 @!p0 $0x108  }
0x21: {  	s3 =	sadd.s32 s3, s9;
	s6 =	sadd.s32 @!p0 $0x88, s6;
	s7 =	simm.s32 @p2 $0x1082  }
0x22: {  	[simem:s7], [sflag:s8] =	dma.local @!p0 [hbm:s6], $0xF7A  }
0x23: {  	s9 =	sor.u32 $0xD0000000, s2;
	s6 =	simm.s32 $0x108;
	_ =	swait.ge @!p0 [sflag:s8], $0x0  }
0x24: {  	s3 =	sadd.s32 $0x88, s3;
	s6 =	simm.s32 @!p1 $0x1082;
	[sflag:s4] =	ssyncset.s32 $0xFFFFF086  }
0x25: {  	[simem:s6], [sflag:s4] =	dma.local [hbm:s3], $0xF7A  }
0x26: {  	[smem:$0x3F9B] =	sst s1;
	(tag) =	ssettag s2;
	_ =	strace s9  }
0x27: {  	s1 =	sld [smem:$0x3FAB]  }
0x28: {  	s2 =	sld [smem:$0x3FAC]  }
0x29: {  	s4 =	sld [smem:$0x3FAE]  }
0x2a: {  	p0 =	seq.s32 s5, $0x0;
	s5 =	sld [smem:$0x3FAF]  }
0x2b: {  	s6 =	sld [smem:$0x3FB0]  }
0x2c: {  	s7 =	sld [smem:$0x3FB1]  }
0x2d: {  	s3 =	simm.s32 $0x108;
	s8 =	sld [smem:$0x3FB2]  }
0x2e: {  	s3 =	simm.s32 @!p0 $0x1082;
	s9 =	sld [smem:$0x3FB3]  }
0x2f: {  	lr =	sadd.s32 s0, s3;
	s0 =	sld [smem:$0x3FAA]  }
0x30: {  	s3 =	sld [smem:$0x3FAD]  }
0x31: {  	[smem:$0x3FB6] =	sst s10  }
0x32: {  	s10 =	sld [smem:$0x3FB4];
	_ =	sdelay $0x3  }
0x33: {  	p0 =	seq.s32 s10, $0x1;
	s10 =	sld [smem:$0x3FB6];
	_ =	sdelay $0x3  }
0x34: {  	[smem:$0x3FB6] =	sst s10  }
0x35: {  	s10 =	sld [smem:$0x3FB5];
	_ =	sdelay $0x3  }
0x36: {  	p1 =	seq.s32 s10, $0x1;
	s10 =	sld [smem:$0x3FB6];
	_ =	sdelay $0x3  }
0x37: {  	[smem:$0x3FB6] =	sst s10  }
0x38: {  	s10 =	sld [smem:$0x3FB7]  }
0x39: {  	_ = 	snop;
	(pc) =	sbr.ind lr, $3  }
0x3a: {  	_ = 	snop  }
0x3b: {  	_ = 	snop  }
0x3c: {  	p2 =	seq.s32 s10, $0x1;
	s10 =	sld [smem:$0x3FB6]  }
0x3d: {  	_ =	shalt  }
0x3e: {  	_ =	shalt  }
0x3f: {  	_ =	shalt  }
0x40: {  	_ =	shalt  }
0x41: {  	_ =	shalt  }
0x42: {  	_ =	shalt  }
0x43: {  	_ =	shalt  }
0x44: {  	_ =	shalt  }
0x45: {  	_ =	shalt  }
0x46: {  	_ =	shalt  }
0x47: {  	_ =	shalt  }
0x48: {  	_ =	shalt  }
0x49: {  	_ =	shalt  }
0x4a: {  	_ =	shalt  }
0x4b: {  	_ =	shalt  }
0x4c: {  	_ =	shalt  }
0x4d: {  	_ =	shalt  }
0x4e: {  	_ =	shalt  }
0x4f: {  	_ =	shalt  }
0x50: {  	_ =	shalt  }
0x51: {  	_ =	shalt  }
0x52: {  	_ =	shalt  }
0x53: {  	_ =	shalt  }
0x54: {  	_ =	shalt  }
0x55: {  	_ =	shalt  }
0x56: {  	_ =	shalt  }
0x57: {  	_ =	shalt  }
0x58: {  	_ =	shalt  }
0x59: {  	_ =	shalt  }
0x5a: {  	_ =	shalt  }
0x5b: {  	_ =	shalt  }
0x5c: {  	_ =	shalt  }
0x5d: {  	_ =	shalt  }
0x5e: {  	_ =	shalt  }
0x5f: {  	_ =	shalt  }
0x60: {  	_ =	shalt  }
0x61: {  	_ =	shalt  }
0x62: {  	_ =	shalt  }
0x63: {  	_ =	shalt  }
0x64: {  	_ =	shalt  }
0x65: {  	_ =	shalt  }
0x66: {  	_ =	shalt  }
0x67: {  	_ =	shalt  }
0x68: {  	_ =	shalt  }
0x69: {  	_ =	shalt  }
0x6a: {  	_ =	shalt  }
0x6b: {  	_ =	shalt  }
0x6c: {  	_ =	shalt  }
0x6d: {  	_ =	shalt  }
0x6e: {  	_ =	shalt  }
0x6f: {  	_ =	shalt  }
0x70: {  	_ =	shalt  }
0x71: {  	_ =	shalt  }
0x72: {  	_ =	shalt  }
0x73: {  	_ =	shalt  }
0x74: {  	_ =	shalt  }
0x75: {  	_ =	shalt  }
0x76: {  	_ =	shalt  }
0x77: {  	_ =	shalt  }
0x78: {  	_ =	shalt  }
0x79: {  	_ =	shalt  }
0x7a: {  	_ =	shalt  }
0x7b: {  	_ =	shalt  }
0x7c: {  	_ =	shalt  }
0x7d: {  	_ =	shalt  }
0x7e: {  	_ =	shalt  }
0x7f: {  	_ =	shalt  }
0x80: {  	_ =	shalt  }
0x81: {  	_ =	shalt  }
0x82: {  	_ =	shalt  }
0x83: {  	_ =	shalt  }
0x84: {  	_ =	shalt  }
0x85: {  	_ =	shalt  }
0x86: {  	_ =	shalt  }
0x87: {  	_ =	shalt  }
.Lfunc_end0:
.L_simem_size_0:
called_computation_lowered:
.L_overlay_start_0:
0x88: {  	s2 =	sld [smem:$0x3FD9]  }
0x89: {  	s3 =	sld [smem:$0x3FFE];
	_ =	sdelay $0x1  }
0x8a: {  	s1 =	srdreg.scid  }
0x8b: {  	s0 =	sand.u32 $0x1, s1  }
0x8c: {  	s17 =	sshll.u32 s0, $0xA;
	s2 =	sadd.s32 s3, s2  }
0x8d: {  	s2 =	sadd.s32 s2, s17  }
0x8e: {  	[smem:$0x3FC2] =	sst s2  }
0x8f: {  	_ = 	snop  }
0x90: {  	s2 =	sld [smem:$0x3FC9];
	(tm) =	ssettm $0x1  }
0x91: {  	s18 =	sld [smem:$0x3FFB];
	_ =	sdelay $0x3  }
0x92: {  	_ =	strace s18  }
0x93: {  	s3 =	sld [smem:$0x3FFC];
	_ =	sdelay $0x3  }
0x94: {  	_ =	strace s3  }
0x95: {  	s3 =	sld [smem:$0x3FFD];
	_ =	sdelay $0x3  }
0x96: {  	_ =	strace s3  }
0x97: {  	_ =	strace $0x8FFFFFFF  }
0x98: {  	s19 =	sld [smem:$0x3FDB];
	_ =	sdelay $0x1  }
0x99: {  	s4 =	simm.s32 $_scs_section_size  }
0x9a: {  	s5 =	simm.s32 $_size__tile_overlayer_lowered;
	s6 =	simm.s32 $_tile_overlayer_lowered  }
0x9b: {  	s22 =	simm.s32 $0x1BFF;
	s21 =	sshll.u32 s6, $0x1;
	s3 =	sadd.s32 s4, s19  }
0x9c: {  	s7 =	simm.s32 $0x0;
	s20 =	sshll.u32 s5, $0x1;
	s5 =	sadd.s32 s21, s3  }
0x9d: {  	[timem:s7], [sflag:s22] =	dma.local [hbm:s5], s20  }
0x9e: {  	_ =	swait.ge [sflag:s22], s20  }
0x9f: {  	s4 =	ssub.s32 $0x0, s20;
	[sflag:s22] =	ssyncset.done $0x0  }
0xa0: {  	[sflag:s22] =	ssyncadd.s32 s4;
	_ =	sdelay $0x1  }
0xa1: {  	s23 =	simm.s32 $0x1B8B  }
0xa2: {  	_ =	swait.ge [sflag:s23], $0x1  }
0xa3: {  	[sflag:s23] =	ssyncset.done $0x0  }
0xa4: {  	s25 =	simm.s32 $0x1B8E;
	s24 =	sld [smem:$0x3FFE];
	[sflag:s23] =	ssyncadd.s32 $0xFFFFFFFF  }
0xa5: {  	s26 =	simm.s32 $execute0_lowered;
	[smem:$0x3FD2] =	sst s25  }
0xa6: {  	s5 =	sshll.u32 s26, $0x1;
	_ =	strace $0x80000046;
	[dreg:$0x1] =	wrdreg $0xFFFFFFFF  }
0xa7: {  	s28 =	simm.s32 $_size_execute0_lowered;
	s3 =	sadd.s32 s3, s5;
	[dreg:$0x0] =	wrdreg $0x0  }
0xa8: {  	s5 =	sshll.u32 s28, $0x1;
	[dreg:$0x2] =	wrdreg s3  }
0xa9: {  	[dreg:$0x3] =	wrdreg s5  }
0xaa: {  	[dreg:$0x4] =	wrdreg $0xC0  }
0xab: {  	_ =	task [dreg:s7], $0x5FFFF  }
0xac: {  	[dreg:$0x1] =	wrdreg $0xFFFFFFFF  }
0xad: {  	[dreg:$0x0] =	wrdreg $0x60  }
0xae: {  	[dreg:$0x2] =	wrdreg s2  }
0xaf: {  	[dreg:$0x3] =	wrdreg s24  }
0xb0: {  	[dreg:$0x4] =	wrdreg $0x8000  }
0xb1: {  	[dreg:$0x5] =	wrdreg $0x9  }
0xb2: {  	_ =	task.clear_ibuf [dreg:s7], $0x6FFFF;
	_ =	strace $0x90000046  }
0xb3: {  	s29 =	simm.s32 $0x9;
	_ =	strace $0x80000048  }
0xb4: {  	_ =	swait.ge [sflag:s29], $0x1  }
0xb5: {  	[sflag:s29] =	ssyncadd.s32 $0xFFFFFFFF  }
0xb6: {  	_ =	strace $0x90000048  }
0xb7: {  	_ =	sfence  }
0xb8: {  	s30 =	sld [smem:$0x0];
	_ =	sdelay $0x2  }
0xb9: {  	s31 =	sshll.u32 s1, $0xD;
	s1 =	sshrl.u32 s1, $0x2  }
0xba: {  	s3 =	sand.u32 $0x4000, s31;
	s1 =	sadd.s32 s1, s30  }
0xbb: {  	s0 =	sor.u32 s3, s0;
	s1 =	sshll.u32 s1, $0x11  }
0xbc: {  	s0 =	sor.u32 s1, s0  }
0xbd: {  	s0 =	sadd.s32 $0x8F2B, s0  }
0xbe: {  	[sflag:s0] =	ssyncadd.remote.s32 $0x1  }
0xbf: {  	_ =	sfence.sel $0xFFFF  }
0xc0: {  	[dreg:$0x0] =	wrdreg $0xFFFFFFFF;
	(pc) =	sbr.abs _section_cstart, $3  }
0xc1: {  	[dreg:$0x1] =	wrdreg $0xFFFFFFFF  }
0xc2: {  	_ =	task.clear_ibuf [dreg:s7], $0x2FFFF;
	_ =	strace $0x9FFFFFFF  }
0xc3: {  	(tm) =	ssettm $0x7FFFFFFF  }
tec
execute0_lowered:
.L_overlay_start_1:
0x0: {  	(tag) =	ssettag $0x1  }
0x1: {  	s4 =	rddreg [dreg:$0x0]  }
0x2: {  	s5 =	rddreg [dreg:$0x1]  }
0x3: {  	s2 =	rddreg [dreg:$0x2]  }
0x4: {  	s0 =	rddreg [dreg:$0x3]  }
0x5: {  	s3 =	simm.s32 $0x0;
	s1 =	stileid.u32;
	s6 =	srdreg.scid  }
0x6: {  	s12 =	simm.s32 $0x400;
	s13 =	simm.s32 $0x480;
	s14 =	simm.s32 $0x100  }
0x7: {  	s15 =	simm.s32 $0x500;
	s16 =	simm.s32 $0x180;
	s17 =	simm.s32 $0x580  }
0x8: {  	s18 =	simm.s32 $0x200;
	s19 =	simm.s32 $0x600;
	s20 =	simm.s32 $0x280  }
0x9: {  	s21 =	simm.s32 $0x680;
	s22 =	simm.s32 $0x300;
	s23 =	simm.s32 $0x700  }
0xa: {  	s24 =	simm.s32 $0x380;
	s25 =	simm.s32 $0x780;
	[smem:$0x7FF] =	sst s3  }
0xb: {  	s7 =	smul.u32 $0xF500, s1;
	s8 =	sand.u32 $0x1, s6;
	s11 =	sshll.u32 s1, $0x7  }
0xc: {  	s31 =	sshll.u32 s1, $0x6;
	_ =	strace $0x80000047;
	s6 =	ssub.s32 $0x2, s8  }
.Ltmp0:
0xd: {  	s4 =	sadd.s32 s4, s11;
	p0 =	seq.s32 s8, $0x0;
	(pc) =	sbr.rel .LBB2_1-.Ltmp0, $4  }
0xe: {  	s8 =	simm.s32 $0x1;
	s11 =	simm.s32 $0x80;
	s9 =	sshrl.u32 s7, $0x3  }
0xf: {  	s10 =	sshrl.u32 s6, $0x1;
	s30 =	sadd.s32 s7, s2;
	s9 =	sadd.s32 s9, s5  }
0x10: {  	s10 =	ssub.s32 s6, s10;
	s5 =	sadd.s32 $0xC00, s9;
	s6 =	sadd.s32 $0x1F600, s9  }
0x11: {  	v0 =	vimm.f32 $1.000000000e+00;
	s7 =	smax.u32 s10, $0x1;
	s9 =	sor.u32 $0x1C01, s31;
	s10 =	sshrl.u32 s30, $0x3  }
.LBB2_3:
0x12: {  	[tilespmem:s3], [sflag:$0x1] =	stream.linear.gather [hbm4b:s4+s3], $0x400, $0x38;
	[tilespmem:$0xFD00] =	vst v63  }
0x13: {  	_ =	swait.ge [sflag:s8], $0x400  }
0x14: {  	[sflag:s8] =	ssyncset.done $0x0  }
0x15: {  	[sflag:s8] =	ssyncadd.s32 $0xFFFFFC00  }
0x16: {  	[tilespmem:$0x400] =	vst v0  }
0x17: {  	[tilespmem:$0x410] =	vst v0  }
0x18: {  	[tilespmem:$0x420] =	vst v0  }
0x19: {  	[tilespmem:$0x430] =	vst v0  }
0x1a: {  	[tilespmem:$0x440] =	vst v0  }
0x1b: {  	[tilespmem:$0x450] =	vst v0  }
0x1c: {  	[tilespmem:$0x460] =	vst v0  }
0x1d: {  	[tilespmem:$0x470] =	vst v0  }
0x1e: {  	[tilespmem:$0x480] =	vst v0  }
0x1f: {  	[tilespmem:$0x490] =	vst v0  }
0x20: {  	[tilespmem:$0x4A0] =	vst v0  }
0x21: {  	[tilespmem:$0x4B0] =	vst v0  }
0x22: {  	[tilespmem:$0x4C0] =	vst v0  }
0x23: {  	[tilespmem:$0x4D0] =	vst v0  }
0x24: {  	[tilespmem:$0x4E0] =	vst v0  }
0x25: {  	[tilespmem:$0x4F0] =	vst v0  }
0x26: {  	[tilespmem:$0x500] =	vst v0  }
0x27: {  	[tilespmem:$0x510] =	vst v0  }
0x28: {  	[tilespmem:$0x520] =	vst v0  }
0x29: {  	[tilespmem:$0x530] =	vst v0  }
0x2a: {  	[tilespmem:$0x540] =	vst v0  }
0x2b: {  	[tilespmem:$0x550] =	vst v0  }
0x2c: {  	[tilespmem:$0x560] =	vst v0  }
0x2d: {  	[tilespmem:$0x570] =	vst v0  }
0x2e: {  	[tilespmem:$0x580] =	vst v0  }
0x2f: {  	[tilespmem:$0x590] =	vst v0  }
0x30: {  	[tilespmem:$0x5A0] =	vst v0  }
0x31: {  	[tilespmem:$0x5B0] =	vst v0  }
0x32: {  	[tilespmem:$0x5C0] =	vst v0  }
0x33: {  	[tilespmem:$0x5D0] =	vst v0  }
0x34: {  	[tilespmem:$0x5E0] =	vst v0  }
0x35: {  	[tilespmem:$0x5F0] =	vst v0  }
0x36: {  	[tilespmem:$0x600] =	vst v0  }
0x37: {  	[tilespmem:$0x610] =	vst v0  }
0x38: {  	[tilespmem:$0x620] =	vst v0  }
0x39: {  	[tilespmem:$0x630] =	vst v0  }
0x3a: {  	[tilespmem:$0x640] =	vst v0  }
0x3b: {  	[tilespmem:$0x650] =	vst v0  }
0x3c: {  	[tilespmem:$0x660] =	vst v0  }
0x3d: {  	[tilespmem:$0x670] =	vst v0  }
0x3e: {  	[tilespmem:$0x680] =	vst v0  }
0x3f: {  	[tilespmem:$0x690] =	vst v0  }
0x40: {  	[tilespmem:$0x6A0] =	vst v0  }
0x41: {  	[tilespmem:$0x6B0] =	vst v0  }
0x42: {  	[tilespmem:$0x6C0] =	vst v0  }
0x43: {  	[tilespmem:$0x6D0] =	vst v0  }
0x44: {  	[tilespmem:$0x6E0] =	vst v0  }
0x45: {  	[tilespmem:$0x6F0] =	vst v0  }
0x46: {  	[tilespmem:$0x700] =	vst v0  }
0x47: {  	[tilespmem:$0x710] =	vst v0  }
0x48: {  	[tilespmem:$0x720] =	vst v0  }
0x49: {  	[tilespmem:$0x730] =	vst v0  }
0x4a: {  	[tilespmem:$0x740] =	vst v0  }
0x4b: {  	[tilespmem:$0x750] =	vst v0  }
0x4c: {  	[tilespmem:$0x760] =	vst v0  }
0x4d: {  	[tilespmem:$0x770] =	vst v0  }
0x4e: {  	[tilespmem:$0x780] =	vst v0  }
0x4f: {  	[tilespmem:$0x790] =	vst v0  }
0x50: {  	[tilespmem:$0x7A0] =	vst v0  }
0x51: {  	[tilespmem:$0x7B0] =	vst v0  }
0x52: {  	[tilespmem:$0x7C0] =	vst v0  }
0x53: {  	[tilespmem:$0x7D0] =	vst v0  }
0x54: {  	[tilespmem:$0x7E0] =	vst v0  }
0x55: {  	[tilespmem:$0x7F0] =	vst v0  }
0x56: {  	[spmem:s10], [sflag:s9] =	dma.local [hbm:s5], $0x1EA0  }
0x57: {  	_ =	swait.ge [sflag:s8], $0x1EA0  }
0x58: {  	[sflag:s8] =	ssyncset.done $0x0  }
0x59: {  	[sflag:s8] =	ssyncadd.s32 $0xFFFFE160  }
0x5a: {  	[bflag:$0x0] =	sbarrier.arrive $0xFFFF  }
0x5b: {  	[spmem:s2] =	stream.indirect.scatter.add.f32 [tilespmem:s12], [sflag:$0x1], $0x1, s3, s11, $0xb8;
	[tilespmem:$0xFD00] =	vst v63  }
0x5c: {  	_ =	swait.ge [sflag:s8], $0x80  }
0x5d: {  	[sflag:s8] =	ssyncset.done $0x0  }
0x5e: {  	[sflag:s8] =	ssyncadd.s32 $0xFFFFFF80  }
0x5f: {  	[spmem:s2] =	stream.indirect.scatter.add.f32 [tilespmem:s13], [sflag:$0x1], $0x1, s11, s11, $0xb8;
	[tilespmem:$0xFD00] =	vst v63  }
0x60: {  	_ =	swait.ge [sflag:s8], $0x80  }
0x61: {  	[sflag:s8] =	ssyncset.done $0x0  }
0x62: {  	[sflag:s8] =	ssyncadd.s32 $0xFFFFFF80  }
0x63: {  	[spmem:s2] =	stream.indirect.scatter.add.f32 [tilespmem:s15], [sflag:$0x1], $0x1, s14, s11, $0xb8;
	[tilespmem:$0xFD00] =	vst v63  }
0x64: {  	_ =	swait.ge [sflag:s8], $0x80  }
0x65: {  	[sflag:s8] =	ssyncset.done $0x0  }
0x66: {  	[sflag:s8] =	ssyncadd.s32 $0xFFFFFF80  }
0x67: {  	[spmem:s2] =	stream.indirect.scatter.add.f32 [tilespmem:s17], [sflag:$0x1], $0x1, s16, s11, $0xb8;
	[tilespmem:$0xFD00] =	vst v63  }
0x68: {  	_ =	swait.ge [sflag:s8], $0x80  }
0x69: {  	[sflag:s8] =	ssyncset.done $0x0  }
0x6a: {  	[sflag:s8] =	ssyncadd.s32 $0xFFFFFF80  }
0x6b: {  	[spmem:s2] =	stream.indirect.scatter.add.f32 [tilespmem:s19], [sflag:$0x1], $0x1, s18, s11, $0xb8;
	[tilespmem:$0xFD00] =	vst v63  }
0x6c: {  	_ =	swait.ge [sflag:s8], $0x80  }
0x6d: {  	[sflag:s8] =	ssyncset.done $0x0  }
0x6e: {  	[sflag:s8] =	ssyncadd.s32 $0xFFFFFF80  }
0x6f: {  	[spmem:s2] =	stream.indirect.scatter.add.f32 [tilespmem:s21], [sflag:$0x1], $0x1, s20, s11, $0xb8;
	[tilespmem:$0xFD00] =	vst v63  }
0x70: {  	_ =	swait.ge [sflag:s8], $0x80  }
0x71: {  	[sflag:s8] =	ssyncset.done $0x0  }
0x72: {  	[sflag:s8] =	ssyncadd.s32 $0xFFFFFF80  }
0x73: {  	[spmem:s2] =	stream.indirect.scatter.add.f32 [tilespmem:s23], [sflag:$0x1], $0x1, s22, s11, $0xb8;
	[tilespmem:$0xFD00] =	vst v63  }
0x74: {  	_ =	swait.ge [sflag:s8], $0x80  }
0x75: {  	[sflag:s8] =	ssyncset.done $0x0  }
0x76: {  	[sflag:s8] =	ssyncadd.s32 $0xFFFFFF80  }
0x77: {  	[spmem:s2] =	stream.indirect.scatter.add.f32 [tilespmem:s25], [sflag:$0x1], $0x1, s24, s11, $0xb8;
	[tilespmem:$0xFD00] =	vst v63  }
0x78: {  	_ =	swait.ge [sflag:s8], $0x80  }
0x79: {  	[sflag:s8] =	ssyncset.done $0x0  }
0x7a: {  	[sflag:s8] =	ssyncadd.s32 $0xFFFFFF80  }
0x7b: {  	[bflag:$0x0] =	sbarrier.arrive $0xFFFF  }
0x7c: {  	[hbm:s6], [sflag:s9] =	dma.local [spmem:s10], $0x1EA0  }
0x7d: {  	_ =	swait.ge [sflag:s8], $0x1EA0  }
0x7e: {  	[sflag:s8] =	ssyncset.done $0x0  }
0x7f: {  	[sflag:s8] =	ssyncadd.s32 $0xFFFFE160  }
.LBB2_4:
0x80: {  	s7 =	sadd.s32 $0xFFFFFFFF, s7  }
0x81: {  	p1 =	sne.s32 s7, $0x0  }
.Ltmp1:
0x82: {  	_ = 	snop;
	(pc) =	sbr.rel @!p1 .LBB2_5-.Ltmp1, $1  }
0x83: {  	_ =	sdelay $0x3  }
.LBB2_1:
.Ltmp2:
0x84: {  	(pc) =	sbr.rel @p0 .LBB2_3-.Ltmp2, $1  }
0x85: {  	_ =	sdelay $0x3  }
.Ltmp3:
0x86: {  	(pc) =	sbr.rel .LBB2_4-.Ltmp3, $3  }
0x87: {  	_ = 	snop  }
0x88: {  	[bflag:$0x0] =	sbarrier.arrive $0xFFFF  }
0x89: {  	[bflag:$0x0] =	sbarrier.arrive $0xFFFF;
	_ =	sdelay $0x1  }
.LBB2_5:
0x8a: {  	_ =	sfence.sel $0x180000  }
0x8b: {  	[bflag:$0x0] =	sbarrier.arrive $0xFFFF  }
0x8c: {  	p0 =	sne.s32 s1, $0x0;
	_ =	strace $0x90000047  }
0x8d: {  	s0 =	sadd.s32 @!p0 $0x100000, s0;
	[bflag:$0x2] =	sbarrier.arrive $0xFFFF  }
0x8e: {  	[sflag:s0] =	ssyncadd.tile.s32 @!p0 $0x1;
	_ =	shalt  }
.Lfunc_end2:
_tile_overlayer_lowered:
.L_overlay_start_2:
0x8f: {  	(tag) =	ssettag $0x2  }
0x90: {  	s0 =	rddreg [dreg:$0x0];
	s2 =	stileid.u32  }
0x91: {  	s1 =	rddreg [dreg:$0x1];
	p0 =	sne.s32 s2, $0x0  }
0x92: {  	s3 =	rddreg [dreg:$0x2];
	[bflag:$0x3] =	sbarrier.arrive $0xFFFF;
	s2 =	simm.s32 @!p0 $0x1C01  }
0x93: {  	[timem:s3], [sflag:s2] =	dma.local @!p0 [hbm:s0], s1  }
0x94: {  	s0 =	simm.s32 @!p0 $0x1  }
0x95: {  	_ =	swait.ge @!p0 [sflag:s0], s1  }
0x96: {  	s1 =	ssub.s32 @!p0 $0x0, s1;
	[sflag:s0] =	ssyncset.done @!p0 $0x0  }
0x97: {  	[sflag:s0] =	ssyncadd.s32 @!p0 s1  }
0x98: {  	[bflag:$0x3] =	sbarrier.arrive $0xFFFF  }
0x99: {  	_ =	shalt  }

</sc_bundles>
